<compile_context>
chip_gen: v7x
topology: tpu7x:2x2x1
jax: 0.10.2.dev20260603
libtpu: 0.0.44.dev20260713+nightly
codegen_flags: <defaults>
</compile_context>

<pallas_src>
import functools

import jax
import jax.numpy as jnp
from jax import lax
from jax.experimental import pallas as pl
from jax.experimental.pallas import tpu as pltpu
from jax.experimental.pallas import tpu_sc as plsc

N = 10000
E = 160000
D = 256
DH = 128
NS = 16
NPAD = 10240
RPW = NPAD // NS
EPS = E // NS
C = 80
NITER = EPS // C
NCHUNKS = E // C
P2ITERS = -(-NCHUNKS // 32)


def _sc_segment_sum(featL, featR, src, dst, zacc, ones128):
    mesh = plsc.VectorSubcoreMesh(core_axis_name="c", subcore_axis_name="s")
    out_type = (
        jax.ShapeDtypeStruct((NPAD, DH), jnp.float32),
        jax.ShapeDtypeStruct((NPAD, DH), jnp.float32),
        jax.ShapeDtypeStruct((NPAD, DH), jnp.float32),
        jax.ShapeDtypeStruct((NPAD, DH), jnp.float32),
    )

    @functools.partial(
        pl.kernel, mesh=mesh, out_type=out_type,
        scratch_types=[
            pltpu.VMEM_SHARED((NPAD, DH), jnp.float32),
            pltpu.VMEM((C,), jnp.int32),
            pltpu.VMEM((C,), jnp.int32),
            pltpu.VMEM((C,), jnp.int32),
            pltpu.VMEM((C,), jnp.int32),
            pltpu.VMEM((C, DH), jnp.float32),
            pltpu.VMEM((C, DH), jnp.float32),
            pltpu.SemaphoreType.DMA,
            pltpu.SemaphoreType.DMA,
            pltpu.SemaphoreType.DMA,
            pltpu.SemaphoreType.DMA,
            pltpu.SemaphoreType.DMA,
            pltpu.SemaphoreType.DMA,
            pltpu.SemaphoreType.DMA,
            pltpu.SemaphoreType.DMA,
        ],
    )
    def k(featL_hbm, featR_hbm, src_hbm, dst_hbm, zacc_hbm, ones_hbm,
          sumL_hbm, sumR_hbm, degA_hbm, degB_hbm,
          acc_sh, src_v0, src_v1, dst_v0, dst_v1, rows_v0, rows_v1,
          isem0, isem1, dsem0, dsem1, gsem0, gsem1, ssem0, ssem1):
        cid = lax.axis_index("c")
        sid = lax.axis_index("s")
        wid = cid * NS + sid
        r0 = sid * RPW
        nchunk = RPW // C
        sv = (src_v0, src_v1)
        dv = (dst_v0, dst_v1)
        rv = (rows_v0, rows_v1)
        isem = (isem0, isem1)
        dsem = (dsem0, dsem1)
        gsem = (gsem0, gsem1)
        ssem = (ssem0, ssem1)
        rows_v = rows_v0
        ones_v = rows_v1

        def zero_acc():
            pltpu.sync_copy(zacc_hbm, rows_v)

            @pl.loop(0, nchunk)
            def _(j):
                pltpu.sync_copy(rows_v, acc_sh.at[pl.ds(r0 + j * C, C)])

        def write_acc(out_hbm):
            @pl.loop(0, nchunk)
            def _(j):
                rr = r0 + j * C
                pltpu.sync_copy(acc_sh.at[pl.ds(rr, C)], rows_v)
                pltpu.sync_copy(rows_v, out_hbm.at[pl.ds(rr, C)])

        zero_acc()
        plsc.subcore_barrier()

        def run(feat_hbm):
            npair = (NITER - 1) // 2

            def isrc_start(i, b):
                pltpu.async_copy(
                    src_hbm.at[pl.ds(sid * EPS + i * C, C)], sv[b], isem[b])

            def isrc_wait(b):
                pltpu.make_async_copy(
                    src_hbm.at[pl.ds(0, C)], sv[b], isem[b]).wait()

            def dst_start(i, b):
                pltpu.async_copy(
                    dst_hbm.at[pl.ds(sid * EPS + i * C, C)], dv[b], dsem[b])

            def dst_wait(b):
                pltpu.make_async_copy(
                    dst_hbm.at[pl.ds(0, C)], dv[b], dsem[b]).wait()

            def gather_start(b):
                pltpu.async_copy(feat_hbm.at[sv[b]], rv[b], gsem[b])

            def gather_wait(b):
                pltpu.make_async_copy(feat_hbm.at[sv[b]], rv[b],
                                      gsem[b]).wait()

            def scat_start(b):
                pltpu.async_copy(rv[b], acc_sh.at[dv[b]], ssem[b], add=True)

            def scat_wait(b):
                pltpu.make_async_copy(rv[b], acc_sh.at[dv[b]],
                                      ssem[b]).wait()

            isrc_start(0, 0)
            dst_start(0, 0)
            isrc_wait(0)
            gather_start(0)
            isrc_start(1, 1)
            dst_start(1, 1)
            gather_wait(0)
            dst_wait(0)
            scat_start(0)
            isrc_wait(1)
            gather_start(1)
            isrc_start(2, 0)

            @pl.loop(0, npair)
            def _(p):
                i = 1 + 2 * p
                gather_wait(1)
                dst_wait(1)
                scat_start(1)
                scat_wait(0)
                dst_start(i + 1, 0)
                isrc_wait(0)
                gather_start(0)

                @pl.when(p < npair - 1)
                def _():
                    isrc_start(i + 2, 1)

                gather_wait(0)
                dst_wait(0)
                scat_start(0)
                scat_wait(1)

                @pl.when(p < npair - 1)
                def _():
                    dst_start(i + 2, 1)
                    isrc_wait(1)
                    gather_start(1)
                    isrc_start(i + 3, 0)

            scat_wait(0)

        @pl.when(cid == 0)
        def _():
            run(featL_hbm)

        @pl.when(cid == 1)
        def _():
            run(featR_hbm)

        plsc.subcore_barrier()

        @pl.when(cid == 0)
        def _():
            write_acc(sumL_hbm)

        @pl.when(cid == 1)
        def _():
            write_acc(sumR_hbm)

        plsc.subcore_barrier()

        zero_acc()
        pltpu.sync_copy(ones_hbm, ones_v)
        plsc.subcore_barrier()

        def d2_start(i, b):
            pltpu.async_copy(
                dst_hbm.at[pl.ds((wid + 32 * i) * C, C)], dv[b], dsem[b])

        def d2_wait(b):
            pltpu.make_async_copy(dst_hbm.at[pl.ds(0, C)], dv[b],
                                  dsem[b]).wait()

        def s2_start(b):
            pltpu.async_copy(ones_v, acc_sh.at[dv[b]], ssem[b], add=True)

        def s2_wait(b):
            pltpu.make_async_copy(ones_v, acc_sh.at[dv[b]], ssem[b]).wait()

        def chunk_exists(i):
            return (wid + 32 * i) < NCHUNKS

        d2_start(0, 0)
        d2_start(1, 1)
        d2_wait(0)
        s2_start(0)

        @pl.loop(0, (P2ITERS - 1) // 2)
        def _(p):
            i = 1 + 2 * p
            s2_wait(0)

            @pl.when(chunk_exists(i + 1))
            def _():
                d2_start(i + 1, 0)

            d2_wait(1)
            s2_start(1)
            s2_wait(1)

            @pl.when(chunk_exists(i + 2))
            def _():
                d2_start(i + 2, 1)

            @pl.when(chunk_exists(i + 1))
            def _():
                d2_wait(0)
                s2_start(0)

        @pl.when(chunk_exists(P2ITERS - 1))
        def _():
            s2_wait(0)

        plsc.subcore_barrier()

        @pl.when(cid == 0)
        def _():
            write_acc(degA_hbm)

        @pl.when(cid == 1)
        def _():
            write_acc(degB_hbm)

    return k(featL, featR, src, dst, zacc, ones128)


_DN = (((1,), (1,)), ((), ()))


def _tc_hself(feat, W_self, b_self):
    B = 400

    def body(feat_ref, ws_ref, b_ref, o_ref):
        o_ref[...] = lax.dot_general(
            feat_ref[...], ws_ref[...], _DN,
            preferred_element_type=jnp.float32) + b_ref[...]

    return pl.pallas_call(
        body,
        grid=(N // B,),
        in_specs=[
            pl.BlockSpec((B, D), lambda i: (i, 0)),
            pl.BlockSpec((D, D), lambda i: (0, 0)),
            pl.BlockSpec((1, D), lambda i: (0, 0)),
        ],
        out_specs=pl.BlockSpec((B, D), lambda i: (i, 0)),
        out_shape=jax.ShapeDtypeStruct((N, D), jnp.float32),
    )(feat, W_self, b_self.reshape(1, D))


def _tc_combine(h_self, sumL, sumR, degA, degB, W_neigh):
    B = 400

    def body(hs_ref, sL_ref, sR_ref, dA_ref, dB_ref, wn_ref, o_ref):
        ns = jnp.concatenate([sL_ref[...], sR_ref[...]], axis=1)
        deg = jnp.maximum(dA_ref[...][:, 0:1] + dB_ref[...][:, 0:1], 1.0)
        h_neigh = ns / deg
        o_ref[...] = hs_ref[...] + lax.dot_general(
            h_neigh, wn_ref[...], _DN, preferred_element_type=jnp.float32)

    return pl.pallas_call(
        body,
        grid=(N // B,),
        in_specs=[
            pl.BlockSpec((B, D), lambda i: (i, 0)),
            pl.BlockSpec((B, DH), lambda i: (i, 0)),
            pl.BlockSpec((B, DH), lambda i: (i, 0)),
            pl.BlockSpec((B, DH), lambda i: (i, 0)),
            pl.BlockSpec((B, DH), lambda i: (i, 0)),
            pl.BlockSpec((D, D), lambda i: (0, 0)),
        ],
        out_specs=pl.BlockSpec((B, D), lambda i: (i, 0)),
        out_shape=jax.ShapeDtypeStruct((N, D), jnp.float32),
    )(h_self, sumL, sumR, degA, degB, W_neigh)


def kernel(feat, edge_index, W_neigh, W_self, b_self):
    src = edge_index[0]
    dst = edge_index[1]
    featL = feat[:, :DH]
    featR = feat[:, DH:]
    zacc = jnp.zeros((C, DH), jnp.float32)
    ones128 = jnp.ones((C, DH), jnp.float32)
    sumL, sumR, degA, degB = _sc_segment_sum(featL, featR, src, dst,
                                             zacc, ones128)
    h_self = _tc_hself(feat, W_self, b_self)
    return _tc_combine(h_self, sumL, sumR, degA, degB, W_neigh)

# --- scband reference (transcript-rebuilt; emitter-appended) ---
"""Pipeline reference for scband-sage-56556129354471 (READ-ONLY COPY).

The authoritative reference and input builder live on the scoring server;
editing this copy changes nothing except your own understanding.
"""

import jax, jax.numpy as jnp
import numpy as np

N = 10000
E = 160000
D_IN = 256
D_OUT = 256


def setup_inputs(seed: int = 0) -> dict:
    key = jax.random.key(seed)
    k1, k2, k3, k4 = jax.random.split(key, 4)
    feat = jax.random.normal(k1, (N, D_IN), dtype=jnp.float32)
    edge_index = jax.random.randint(k2, (2, E), 0, N, dtype=jnp.int32)
    # Glorot-uniform-like init for linear weights (torch Linear stores [out, in])
    gain = float(np.sqrt(2.0))
    limit_neigh = gain * float(np.sqrt(6.0 / (D_IN + D_OUT)))
    W_neigh = jax.random.uniform(k3, (D_OUT, D_IN), dtype=jnp.float32,
                                 minval=-limit_neigh, maxval=limit_neigh)
    W_self = jax.random.uniform(k4, (D_OUT, D_IN), dtype=jnp.float32,
                                minval=-limit_neigh, maxval=limit_neigh)
    b_self = jnp.zeros((D_OUT,), dtype=jnp.float32)
    return {"feat": feat, "edge_index": edge_index,
            "W_neigh": W_neigh, "W_self": W_self, "b_self": b_self}


def reference(feat, edge_index, W_neigh, W_self, b_self):
    # SAGEConv with aggregator_type='mean', feat_drop=0 (eval), no norm/activation.
    # in_feats == out_feats so lin_before_mp is False: aggregate then fc_neigh.
    src = edge_index[0]
    dst = edge_index[1]
    msg = jnp.take(feat, src, axis=0)  # copy_u gather: [E, D_IN]
    neigh_sum = jax.ops.segment_sum(msg, dst, num_segments=N)
    deg = jax.ops.segment_sum(jnp.ones((msg.shape[0],), dtype=feat.dtype), dst,
                              num_segments=N)
    # DGL mean reducer: zero in-degree nodes get zeros (neigh_sum already 0 there)
    h_neigh = neigh_sum / jnp.clip(deg, 1.0, None)[:, None]
    h_neigh = h_neigh @ W_neigh.T  # fc_neigh, no bias
    h_self = feat @ W_self.T + b_self  # fc_self with bias
    rst = h_self + h_neigh
    return rst

if __name__ == "__main__":
    import jax
    _d = setup_inputs()
    print(jax.jit(kernel)(*tuple(_d.values())))

</pallas_src>

<mosaic_0001>
#map = affine_map<(d0, d1) -> (0, 0)>
#map1 = affine_map<(d0, d1) -> (0)>
module attributes {stable_mosaic.version = 14 : i64} {
  func.func @k(%arg0: i32, %arg1: i32, %arg2: memref<10000x128xf32, #tpu.memory_space<hbm>>, %arg3: memref<10000x128xf32, #tpu.memory_space<hbm>>, %arg4: memref<160000xi32, #tpu.memory_space<hbm>>, %arg5: memref<160000xi32, #tpu.memory_space<hbm>>, %arg6: memref<80x128xf32, #tpu.memory_space<hbm>>, %arg7: memref<80x128xf32, #tpu.memory_space<hbm>>, %arg8: memref<10240x128xf32, #tpu.memory_space<hbm>>, %arg9: memref<10240x128xf32, #tpu.memory_space<hbm>>, %arg10: memref<10240x128xf32, #tpu.memory_space<hbm>>, %arg11: memref<10240x128xf32, #tpu.memory_space<hbm>>, %arg12: memref<10240x128xf32, #tpu.memory_space<vmem_shared>>, %arg13: memref<80xi32, #tpu.memory_space<vmem>>, %arg14: memref<80xi32, #tpu.memory_space<vmem>>, %arg15: memref<80xi32, #tpu.memory_space<vmem>>, %arg16: memref<80xi32, #tpu.memory_space<vmem>>, %arg17: memref<80x128xf32, #tpu.memory_space<vmem>>, %arg18: memref<80x128xf32, #tpu.memory_space<vmem>>, %arg19: memref<!tpu.dma_semaphore, #tpu.memory_space<semaphore_mem>>, %arg20: memref<!tpu.dma_semaphore, #tpu.memory_space<semaphore_mem>>, %arg21: memref<!tpu.dma_semaphore, #tpu.memory_space<semaphore_mem>>, %arg22: memref<!tpu.dma_semaphore, #tpu.memory_space<semaphore_mem>>, %arg23: memref<!tpu.dma_semaphore, #tpu.memory_space<semaphore_mem>>, %arg24: memref<!tpu.dma_semaphore, #tpu.memory_space<semaphore_mem>>, %arg25: memref<!tpu.dma_semaphore, #tpu.memory_space<semaphore_mem>>, %arg26: memref<!tpu.dma_semaphore, #tpu.memory_space<semaphore_mem>>) attributes {dimension_semantics = [#tpu.dimension_semantics<core_parallel>, #tpu.dimension_semantics<subcore_parallel>], iteration_bounds = array<i64: 2, 16>, scalar_prefetch = 0 : i64, scratch_operands = 15 : i64, tpu.core_type = #tpu.core_type<sc_vector_subcore>, window_params = [{transform_indices = #map}, {transform_indices = #map}, {transform_indices = #map1}, {transform_indices = #map1}, {transform_indices = #map}, {transform_indices = #map}, {transform_indices = #map}, {transform_indices = #map}, {transform_indices = #map}, {transform_indices = #map}]} {
    %mul3A = arith.constant 16 : i32
    %mul3A_0 = arith.muli %arg0, %mul3A : i32
    %add3A = arith.addi %mul3A_0, %arg1 : i32
    %mul3A_1 = arith.constant 640 : i32
    %mul3A_2 = arith.muli %arg1, %mul3A_1 : i32
    "tpu.region"() ({
      %run_scoped3A = tpu.sem_alloc : memref<!tpu.dma_semaphore, #tpu.memory_space<semaphore_mem>>
      tpu.enqueue_dma source(%arg6 : memref<80x128xf32, #tpu.memory_space<hbm>>) target(%arg17 : memref<80x128xf32, #tpu.memory_space<vmem>>) target_semaphore(%run_scoped3A : memref<!tpu.dma_semaphore, #tpu.memory_space<semaphore_mem>>)
      tpu.wait_dma2 semaphore(%run_scoped3A : memref<!tpu.dma_semaphore, #tpu.memory_space<semaphore_mem>>) src(%arg6 : memref<80x128xf32, #tpu.memory_space<hbm>>) dst(%arg17 : memref<80x128xf32, #tpu.memory_space<vmem>>)
      tpu.yield
    }) : () -> ()
    %scan3A = arith.constant 0 : i32
    %scan3A_3 = arith.constant 8 : i32
    %scan3A_4 = arith.addi %scan3A, %scan3A_3 : i32
    %scan3A_5 = arith.constant 1 : i32
    scf.for %scan3A_71 = %scan3A to %scan3A_4 step %scan3A_5  : i32 {
      %mul3A_72 = arith.constant 1 : i32
      %mul3A_73 = arith.muli %scan3A_71, %mul3A_72 : i32
      %add3A_74 = arith.constant 0 : i32
      %add3A_75 = arith.addi %add3A_74, %mul3A_73 : i32
      %mul3A_76 = arith.constant 80 : i32
      %mul3A_77 = arith.muli %add3A_75, %mul3A_76 : i32
      %add3A_78 = arith.addi %mul3A_2, %mul3A_77 : i32
      "tpu.region"() ({
        %run_scoped3A = tpu.sem_alloc : memref<!tpu.dma_semaphore, #tpu.memory_space<semaphore_mem>>
        %dma_start3A_79 = arith.constant 0 : i32
        %dma_start3A_80 = tpu.memref_slice %arg12[%add3A_78, %dma_start3A_79] : memref<10240x128xf32, #tpu.memory_space<vmem_shared>> -> memref<80x128xf32, #tpu.memory_space<vmem_shared>>
        %dma_start3A_81 = arith.constant 0 : i32
        %dma_start3A_82 = tpu.memref_slice %arg12[%add3A_78, %dma_start3A_81] : memref<10240x128xf32, #tpu.memory_space<vmem_shared>> -> memref<80x128xf32, #tpu.memory_space<vmem_shared>>
        tpu.enqueue_dma source(%arg17 : memref<80x128xf32, #tpu.memory_space<vmem>>) target(%dma_start3A_82 : memref<80x128xf32, #tpu.memory_space<vmem_shared>>) target_semaphore(%run_scoped3A : memref<!tpu.dma_semaphore, #tpu.memory_space<semaphore_mem>>)
        %dma_wait3A_83 = arith.constant 0 : i32
        %dma_wait3A_84 = tpu.memref_slice %arg12[%add3A_78, %dma_wait3A_83] : memref<10240x128xf32, #tpu.memory_space<vmem_shared>> -> memref<80x128xf32, #tpu.memory_space<vmem_shared>>
        %dma_wait3A_85 = arith.constant 0 : i32
        %dma_wait3A_86 = tpu.memref_slice %arg12[%add3A_78, %dma_wait3A_85] : memref<10240x128xf32, #tpu.memory_space<vmem_shared>> -> memref<80x128xf32, #tpu.memory_space<vmem_shared>>
        tpu.wait_dma2 semaphore(%run_scoped3A : memref<!tpu.dma_semaphore, #tpu.memory_space<semaphore_mem>>) src(%arg17 : memref<80x128xf32, #tpu.memory_space<vmem>>) dst(%dma_wait3A_86 : memref<80x128xf32, #tpu.memory_space<vmem_shared>>)
        tpu.yield
      }) : () -> ()
    }
    %scan3A_6 = arith.constant 8 : i32
    %barrier3A = arith.constant 0 : index
    tpu.barrier barrier_id(%barrier3A)
    %eq3A = arith.constant 0 : i32
    %eq3A_7 = arith.cmpi eq, %arg0, %eq3A : i32
    %convert_element_type3A = arith.extui %eq3A_7 : i1 to i32
    %cond3A = arith.constant 0 : i32
    %cond3A_8 = arith.cmpi ne, %convert_element_type3A, %cond3A : i32
    scf.if %cond3A_8 {
      %mul3A_71 = arith.constant 10000 : i32
      %mul3A_72 = arith.muli %arg1, %mul3A_71 : i32
      %add3A_73 = arith.constant 0 : i32
      %add3A_74 = arith.addi %mul3A_72, %add3A_73 : i32
      %dma_start3A_75 = tpu.memref_slice %arg4[%add3A_74] : memref<160000xi32, #tpu.memory_space<hbm>> -> memref<80xi32, #tpu.memory_space<hbm>>
      %dma_start3A_76 = tpu.memref_slice %arg4[%add3A_74] : memref<160000xi32, #tpu.memory_space<hbm>> -> memref<80xi32, #tpu.memory_space<hbm>>
      tpu.enqueue_dma source(%dma_start3A_76 : memref<80xi32, #tpu.memory_space<hbm>>) target(%arg13 : memref<80xi32, #tpu.memory_space<vmem>>) target_semaphore(%arg19 : memref<!tpu.dma_semaphore, #tpu.memory_space<semaphore_mem>>)
      %mul3A_77 = arith.constant 10000 : i32
      %mul3A_78 = arith.muli %arg1, %mul3A_77 : i32
      %add3A_79 = arith.constant 0 : i32
      %add3A_80 = arith.addi %mul3A_78, %add3A_79 : i32
      %dma_start3A_81 = tpu.memref_slice %arg5[%add3A_80] : memref<160000xi32, #tpu.memory_space<hbm>> -> memref<80xi32, #tpu.memory_space<hbm>>
      %dma_start3A_82 = tpu.memref_slice %arg5[%add3A_80] : memref<160000xi32, #tpu.memory_space<hbm>> -> memref<80xi32, #tpu.memory_space<hbm>>
      tpu.enqueue_dma source(%dma_start3A_82 : memref<80xi32, #tpu.memory_space<hbm>>) target(%arg15 : memref<80xi32, #tpu.memory_space<vmem>>) target_semaphore(%arg21 : memref<!tpu.dma_semaphore, #tpu.memory_space<semaphore_mem>>)
      %dma_wait3A_83 = arith.constant 0 : i32
      %dma_wait3A_84 = tpu.memref_slice %arg4[%dma_wait3A_83] : memref<160000xi32, #tpu.memory_space<hbm>> -> memref<80xi32, #tpu.memory_space<hbm>>
      %dma_wait3A_85 = arith.constant 0 : i32
      %dma_wait3A_86 = tpu.memref_slice %arg4[%dma_wait3A_85] : memref<160000xi32, #tpu.memory_space<hbm>> -> memref<80xi32, #tpu.memory_space<hbm>>
      tpu.wait_dma2 semaphore(%arg19 : memref<!tpu.dma_semaphore, #tpu.memory_space<semaphore_mem>>) src(%dma_wait3A_86 : memref<80xi32, #tpu.memory_space<hbm>>) dst(%arg13 : memref<80xi32, #tpu.memory_space<vmem>>)
      %dma_start3A_87 = arith.constant 0 : i32
      %dma_start3A_88 = arith.constant 0 : i32
      %dma_start3A_89 = tpu.memref_slice %arg2[%dma_start3A_87, %dma_start3A_88] : memref<10000x128xf32, #tpu.memory_space<hbm>> -> memref<10000x128xf32, #tpu.memory_space<hbm>>
      tpu.enqueue_indirect_dma source(%dma_start3A_89 : memref<10000x128xf32, #tpu.memory_space<hbm>>) target(%arg17 : memref<80x128xf32, #tpu.memory_space<vmem>>) offsets(%arg13 : memref<80xi32, #tpu.memory_space<vmem>>) semaphore(%arg23 : memref<!tpu.dma_semaphore, #tpu.memory_space<semaphore_mem>>)
      %mul3A_90 = arith.constant 10000 : i32
      %mul3A_91 = arith.muli %arg1, %mul3A_90 : i32
      %add3A_92 = arith.constant 80 : i32
      %add3A_93 = arith.addi %mul3A_91, %add3A_92 : i32
      %dma_start3A_94 = tpu.memref_slice %arg4[%add3A_93] : memref<160000xi32, #tpu.memory_space<hbm>> -> memref<80xi32, #tpu.memory_space<hbm>>
      %dma_start3A_95 = tpu.memref_slice %arg4[%add3A_93] : memref<160000xi32, #tpu.memory_space<hbm>> -> memref<80xi32, #tpu.memory_space<hbm>>
      tpu.enqueue_dma source(%dma_start3A_95 : memref<80xi32, #tpu.memory_space<hbm>>) target(%arg14 : memref<80xi32, #tpu.memory_space<vmem>>) target_semaphore(%arg20 : memref<!tpu.dma_semaphore, #tpu.memory_space<semaphore_mem>>)
      %mul3A_96 = arith.constant 10000 : i32
      %mul3A_97 = arith.muli %arg1, %mul3A_96 : i32
      %add3A_98 = arith.constant 80 : i32
      %add3A_99 = arith.addi %mul3A_97, %add3A_98 : i32
      %dma_start3A_100 = tpu.memref_slice %arg5[%add3A_99] : memref<160000xi32, #tpu.memory_space<hbm>> -> memref<80xi32, #tpu.memory_space<hbm>>
      %dma_start3A_101 = tpu.memref_slice %arg5[%add3A_99] : memref<160000xi32, #tpu.memory_space<hbm>> -> memref<80xi32, #tpu.memory_space<hbm>>
      tpu.enqueue_dma source(%dma_start3A_101 : memref<80xi32, #tpu.memory_space<hbm>>) target(%arg16 : memref<80xi32, #tpu.memory_space<vmem>>) target_semaphore(%arg22 : memref<!tpu.dma_semaphore, #tpu.memory_space<semaphore_mem>>)
      %dma_wait3A_102 = arith.constant 0 : i32
      %dma_wait3A_103 = arith.constant 0 : i32
      %dma_wait3A_104 = tpu.memref_slice %arg2[%dma_wait3A_102, %dma_wait3A_103] : memref<10000x128xf32, #tpu.memory_space<hbm>> -> memref<10000x128xf32, #tpu.memory_space<hbm>>
      tpu.wait_indirect_dma semaphore(%arg23 : memref<!tpu.dma_semaphore, #tpu.memory_space<semaphore_mem>>) src(%dma_wait3A_104 : memref<10000x128xf32, #tpu.memory_space<hbm>>) dst(%arg17 : memref<80x128xf32, #tpu.memory_space<vmem>>)
      %dma_wait3A_105 = arith.constant 0 : i32
      %dma_wait3A_106 = tpu.memref_slice %arg5[%dma_wait3A_105] : memref<160000xi32, #tpu.memory_space<hbm>> -> memref<80xi32, #tpu.memory_space<hbm>>
      %dma_wait3A_107 = arith.constant 0 : i32
      %dma_wait3A_108 = tpu.memref_slice %arg5[%dma_wait3A_107] : memref<160000xi32, #tpu.memory_space<hbm>> -> memref<80xi32, #tpu.memory_space<hbm>>
      tpu.wait_dma2 semaphore(%arg21 : memref<!tpu.dma_semaphore, #tpu.memory_space<semaphore_mem>>) src(%dma_wait3A_108 : memref<80xi32, #tpu.memory_space<hbm>>) dst(%arg15 : memref<80xi32, #tpu.memory_space<vmem>>)
      %dma_start3A_109 = arith.constant 0 : i32
      %dma_start3A_110 = arith.constant 0 : i32
      %dma_start3A_111 = tpu.memref_slice %arg12[%dma_start3A_109, %dma_start3A_110] : memref<10240x128xf32, #tpu.memory_space<vmem_shared>> -> memref<10240x128xf32, #tpu.memory_space<vmem_shared>>
      tpu.enqueue_indirect_dma source(%arg17 : memref<80x128xf32, #tpu.memory_space<vmem>>) target(%dma_start3A_111 : memref<10240x128xf32, #tpu.memory_space<vmem_shared>>) offsets(%arg15 : memref<80xi32, #tpu.memory_space<vmem>>) semaphore(%arg25 : memref<!tpu.dma_semaphore, #tpu.memory_space<semaphore_mem>>) {add = true}
      %dma_wait3A_112 = arith.constant 0 : i32
      %dma_wait3A_113 = tpu.memref_slice %arg4[%dma_wait3A_112] : memref<160000xi32, #tpu.memory_space<hbm>> -> memref<80xi32, #tpu.memory_space<hbm>>
      %dma_wait3A_114 = arith.constant 0 : i32
      %dma_wait3A_115 = tpu.memref_slice %arg4[%dma_wait3A_114] : memref<160000xi32, #tpu.memory_space<hbm>> -> memref<80xi32, #tpu.memory_space<hbm>>
      tpu.wait_dma2 semaphore(%arg20 : memref<!tpu.dma_semaphore, #tpu.memory_space<semaphore_mem>>) src(%dma_wait3A_115 : memref<80xi32, #tpu.memory_space<hbm>>) dst(%arg14 : memref<80xi32, #tpu.memory_space<vmem>>)
      %dma_start3A_116 = arith.constant 0 : i32
      %dma_start3A_117 = arith.constant 0 : i32
      %dma_start3A_118 = tpu.memref_slice %arg2[%dma_start3A_116, %dma_start3A_117] : memref<10000x128xf32, #tpu.memory_space<hbm>> -> memref<10000x128xf32, #tpu.memory_space<hbm>>
      tpu.enqueue_indirect_dma source(%dma_start3A_118 : memref<10000x128xf32, #tpu.memory_space<hbm>>) target(%arg18 : memref<80x128xf32, #tpu.memory_space<vmem>>) offsets(%arg14 : memref<80xi32, #tpu.memory_space<vmem>>) semaphore(%arg24 : memref<!tpu.dma_semaphore, #tpu.memory_space<semaphore_mem>>)
      %mul3A_119 = arith.constant 10000 : i32
      %mul3A_120 = arith.muli %arg1, %mul3A_119 : i32
      %add3A_121 = arith.constant 160 : i32
      %add3A_122 = arith.addi %mul3A_120, %add3A_121 : i32
      %dma_start3A_123 = tpu.memref_slice %arg4[%add3A_122] : memref<160000xi32, #tpu.memory_space<hbm>> -> memref<80xi32, #tpu.memory_space<hbm>>
      %dma_start3A_124 = tpu.memref_slice %arg4[%add3A_122] : memref<160000xi32, #tpu.memory_space<hbm>> -> memref<80xi32, #tpu.memory_space<hbm>>
      tpu.enqueue_dma source(%dma_start3A_124 : memref<80xi32, #tpu.memory_space<hbm>>) target(%arg13 : memref<80xi32, #tpu.memory_space<vmem>>) target_semaphore(%arg19 : memref<!tpu.dma_semaphore, #tpu.memory_space<semaphore_mem>>)
      %scan3A_125 = arith.constant 0 : i32
      %scan3A_126 = arith.constant 62 : i32
      %scan3A_127 = arith.addi %scan3A_125, %scan3A_126 : i32
      %scan3A_128 = arith.constant 1 : i32
      scf.for %scan3A_133 = %scan3A_125 to %scan3A_127 step %scan3A_128  : i32 {
        %mul3A_134 = arith.constant 1 : i32
        %mul3A_135 = arith.muli %scan3A_133, %mul3A_134 : i32
        %add3A_136 = arith.constant 0 : i32
        %add3A_137 = arith.addi %add3A_136, %mul3A_135 : i32
        %mul3A_138 = arith.constant 2 : i32
        %mul3A_139 = arith.muli %mul3A_138, %add3A_137 : i32
        %add3A_140 = arith.constant 1 : i32
        %add3A_141 = arith.addi %add3A_140, %mul3A_139 : i32
        %dma_wait3A_142 = arith.constant 0 : i32
        %dma_wait3A_143 = arith.constant 0 : i32
        %dma_wait3A_144 = tpu.memref_slice %arg2[%dma_wait3A_142, %dma_wait3A_143] : memref<10000x128xf32, #tpu.memory_space<hbm>> -> memref<10000x128xf32, #tpu.memory_space<hbm>>
        tpu.wait_indirect_dma semaphore(%arg24 : memref<!tpu.dma_semaphore, #tpu.memory_space<semaphore_mem>>) src(%dma_wait3A_144 : memref<10000x128xf32, #tpu.memory_space<hbm>>) dst(%arg18 : memref<80x128xf32, #tpu.memory_space<vmem>>)
        %dma_wait3A_145 = arith.constant 0 : i32
        %dma_wait3A_146 = tpu.memref_slice %arg5[%dma_wait3A_145] : memref<160000xi32, #tpu.memory_space<hbm>> -> memref<80xi32, #tpu.memory_space<hbm>>
        %dma_wait3A_147 = arith.constant 0 : i32
        %dma_wait3A_148 = tpu.memref_slice %arg5[%dma_wait3A_147] : memref<160000xi32, #tpu.memory_space<hbm>> -> memref<80xi32, #tpu.memory_space<hbm>>
        tpu.wait_dma2 semaphore(%arg22 : memref<!tpu.dma_semaphore, #tpu.memory_space<semaphore_mem>>) src(%dma_wait3A_148 : memref<80xi32, #tpu.memory_space<hbm>>) dst(%arg16 : memref<80xi32, #tpu.memory_space<vmem>>)
        %dma_start3A_149 = arith.constant 0 : i32
        %dma_start3A_150 = arith.constant 0 : i32
        %dma_start3A_151 = tpu.memref_slice %arg12[%dma_start3A_149, %dma_start3A_150] : memref<10240x128xf32, #tpu.memory_space<vmem_shared>> -> memref<10240x128xf32, #tpu.memory_space<vmem_shared>>
        tpu.enqueue_indirect_dma source(%arg18 : memref<80x128xf32, #tpu.memory_space<vmem>>) target(%dma_start3A_151 : memref<10240x128xf32, #tpu.memory_space<vmem_shared>>) offsets(%arg16 : memref<80xi32, #tpu.memory_space<vmem>>) semaphore(%arg26 : memref<!tpu.dma_semaphore, #tpu.memory_space<semaphore_mem>>) {add = true}
        %dma_wait3A_152 = arith.constant 0 : i32
        %dma_wait3A_153 = arith.constant 0 : i32
        %dma_wait3A_154 = tpu.memref_slice %arg12[%dma_wait3A_152, %dma_wait3A_153] : memref<10240x128xf32, #tpu.memory_space<vmem_shared>> -> memref<10240x128xf32, #tpu.memory_space<vmem_shared>>
        tpu.wait_indirect_dma semaphore(%arg25 : memref<!tpu.dma_semaphore, #tpu.memory_space<semaphore_mem>>) src(%arg17 : memref<80x128xf32, #tpu.memory_space<vmem>>) dst(%dma_wait3A_154 : memref<10240x128xf32, #tpu.memory_space<vmem_shared>>)
        %add3A_155 = arith.constant 1 : i32
        %add3A_156 = arith.addi %add3A_141, %add3A_155 : i32
        %mul3A_157 = arith.constant 10000 : i32
        %mul3A_158 = arith.muli %arg1, %mul3A_157 : i32
        %mul3A_159 = arith.constant 80 : i32
        %mul3A_160 = arith.muli %add3A_156, %mul3A_159 : i32
        %add3A_161 = arith.addi %mul3A_158, %mul3A_160 : i32
        %dma_start3A_162 = tpu.memref_slice %arg5[%add3A_161] : memref<160000xi32, #tpu.memory_space<hbm>> -> memref<80xi32, #tpu.memory_space<hbm>>
        %dma_start3A_163 = tpu.memref_slice %arg5[%add3A_161] : memref<160000xi32, #tpu.memory_space<hbm>> -> memref<80xi32, #tpu.memory_space<hbm>>
        tpu.enqueue_dma source(%dma_start3A_163 : memref<80xi32, #tpu.memory_space<hbm>>) target(%arg15 : memref<80xi32, #tpu.memory_space<vmem>>) target_semaphore(%arg21 : memref<!tpu.dma_semaphore, #tpu.memory_space<semaphore_mem>>)
        %dma_wait3A_164 = arith.constant 0 : i32
        %dma_wait3A_165 = tpu.memref_slice %arg4[%dma_wait3A_164] : memref<160000xi32, #tpu.memory_space<hbm>> -> memref<80xi32, #tpu.memory_space<hbm>>
        %dma_wait3A_166 = arith.constant 0 : i32
        %dma_wait3A_167 = tpu.memref_slice %arg4[%dma_wait3A_166] : memref<160000xi32, #tpu.memory_space<hbm>> -> memref<80xi32, #tpu.memory_space<hbm>>
        tpu.wait_dma2 semaphore(%arg19 : memref<!tpu.dma_semaphore, #tpu.memory_space<semaphore_mem>>) src(%dma_wait3A_167 : memref<80xi32, #tpu.memory_space<hbm>>) dst(%arg13 : memref<80xi32, #tpu.memory_space<vmem>>)
        %dma_start3A_168 = arith.constant 0 : i32
        %dma_start3A_169 = arith.constant 0 : i32
        %dma_start3A_170 = tpu.memref_slice %arg2[%dma_start3A_168, %dma_start3A_169] : memref<10000x128xf32, #tpu.memory_space<hbm>> -> memref<10000x128xf32, #tpu.memory_space<hbm>>
        tpu.enqueue_indirect_dma source(%dma_start3A_170 : memref<10000x128xf32, #tpu.memory_space<hbm>>) target(%arg17 : memref<80x128xf32, #tpu.memory_space<vmem>>) offsets(%arg13 : memref<80xi32, #tpu.memory_space<vmem>>) semaphore(%arg23 : memref<!tpu.dma_semaphore, #tpu.memory_space<semaphore_mem>>)
        %lt3A_171 = arith.constant 61 : i32
        %lt3A_172 = arith.cmpi slt, %add3A_137, %lt3A_171 : i32
        %convert_element_type3A_173 = arith.extui %lt3A_172 : i1 to i32
        %cond3A_174 = arith.constant 0 : i32
        %cond3A_175 = arith.cmpi ne, %convert_element_type3A_173, %cond3A_174 : i32
        scf.if %cond3A_175 {
          %add3A_194 = arith.constant 2 : i32
          %add3A_195 = arith.addi %add3A_141, %add3A_194 : i32
          %mul3A_196 = arith.constant 10000 : i32
          %mul3A_197 = arith.muli %arg1, %mul3A_196 : i32
          %mul3A_198 = arith.constant 80 : i32
          %mul3A_199 = arith.muli %add3A_195, %mul3A_198 : i32
          %add3A_200 = arith.addi %mul3A_197, %mul3A_199 : i32
          %dma_start3A_201 = tpu.memref_slice %arg4[%add3A_200] : memref<160000xi32, #tpu.memory_space<hbm>> -> memref<80xi32, #tpu.memory_space<hbm>>
          %dma_start3A_202 = tpu.memref_slice %arg4[%add3A_200] : memref<160000xi32, #tpu.memory_space<hbm>> -> memref<80xi32, #tpu.memory_space<hbm>>
          tpu.enqueue_dma source(%dma_start3A_202 : memref<80xi32, #tpu.memory_space<hbm>>) target(%arg14 : memref<80xi32, #tpu.memory_space<vmem>>) target_semaphore(%arg20 : memref<!tpu.dma_semaphore, #tpu.memory_space<semaphore_mem>>)
        } else {
        }
        %dma_wait3A_176 = arith.constant 0 : i32
        %dma_wait3A_177 = arith.constant 0 : i32
        %dma_wait3A_178 = tpu.memref_slice %arg2[%dma_wait3A_176, %dma_wait3A_177] : memref<10000x128xf32, #tpu.memory_space<hbm>> -> memref<10000x128xf32, #tpu.memory_space<hbm>>
        tpu.wait_indirect_dma semaphore(%arg23 : memref<!tpu.dma_semaphore, #tpu.memory_space<semaphore_mem>>) src(%dma_wait3A_178 : memref<10000x128xf32, #tpu.memory_space<hbm>>) dst(%arg17 : memref<80x128xf32, #tpu.memory_space<vmem>>)
        %dma_wait3A_179 = arith.constant 0 : i32
        %dma_wait3A_180 = tpu.memref_slice %arg5[%dma_wait3A_179] : memref<160000xi32, #tpu.memory_space<hbm>> -> memref<80xi32, #tpu.memory_space<hbm>>
        %dma_wait3A_181 = arith.constant 0 : i32
        %dma_wait3A_182 = tpu.memref_slice %arg5[%dma_wait3A_181] : memref<160000xi32, #tpu.memory_space<hbm>> -> memref<80xi32, #tpu.memory_space<hbm>>
        tpu.wait_dma2 semaphore(%arg21 : memref<!tpu.dma_semaphore, #tpu.memory_space<semaphore_mem>>) src(%dma_wait3A_182 : memref<80xi32, #tpu.memory_space<hbm>>) dst(%arg15 : memref<80xi32, #tpu.memory_space<vmem>>)
        %dma_start3A_183 = arith.constant 0 : i32
        %dma_start3A_184 = arith.constant 0 : i32
        %dma_start3A_185 = tpu.memref_slice %arg12[%dma_start3A_183, %dma_start3A_184] : memref<10240x128xf32, #tpu.memory_space<vmem_shared>> -> memref<10240x128xf32, #tpu.memory_space<vmem_shared>>
        tpu.enqueue_indirect_dma source(%arg17 : memref<80x128xf32, #tpu.memory_space<vmem>>) target(%dma_start3A_185 : memref<10240x128xf32, #tpu.memory_space<vmem_shared>>) offsets(%arg15 : memref<80xi32, #tpu.memory_space<vmem>>) semaphore(%arg25 : memref<!tpu.dma_semaphore, #tpu.memory_space<semaphore_mem>>) {add = true}
        %dma_wait3A_186 = arith.constant 0 : i32
        %dma_wait3A_187 = arith.constant 0 : i32
        %dma_wait3A_188 = tpu.memref_slice %arg12[%dma_wait3A_186, %dma_wait3A_187] : memref<10240x128xf32, #tpu.memory_space<vmem_shared>> -> memref<10240x128xf32, #tpu.memory_space<vmem_shared>>
        tpu.wait_indirect_dma semaphore(%arg26 : memref<!tpu.dma_semaphore, #tpu.memory_space<semaphore_mem>>) src(%arg18 : memref<80x128xf32, #tpu.memory_space<vmem>>) dst(%dma_wait3A_188 : memref<10240x128xf32, #tpu.memory_space<vmem_shared>>)
        %lt3A_189 = arith.constant 61 : i32
        %lt3A_190 = arith.cmpi slt, %add3A_137, %lt3A_189 : i32
        %convert_element_type3A_191 = arith.extui %lt3A_190 : i1 to i32
        %cond3A_192 = arith.constant 0 : i32
        %cond3A_193 = arith.cmpi ne, %convert_element_type3A_191, %cond3A_192 : i32
        scf.if %cond3A_193 {
          %add3A_194 = arith.constant 2 : i32
          %add3A_195 = arith.addi %add3A_141, %add3A_194 : i32
          %mul3A_196 = arith.constant 10000 : i32
          %mul3A_197 = arith.muli %arg1, %mul3A_196 : i32
          %mul3A_198 = arith.constant 80 : i32
          %mul3A_199 = arith.muli %add3A_195, %mul3A_198 : i32
          %add3A_200 = arith.addi %mul3A_197, %mul3A_199 : i32
          %dma_start3A_201 = tpu.memref_slice %arg5[%add3A_200] : memref<160000xi32, #tpu.memory_space<hbm>> -> memref<80xi32, #tpu.memory_space<hbm>>
          %dma_start3A_202 = tpu.memref_slice %arg5[%add3A_200] : memref<160000xi32, #tpu.memory_space<hbm>> -> memref<80xi32, #tpu.memory_space<hbm>>
          tpu.enqueue_dma source(%dma_start3A_202 : memref<80xi32, #tpu.memory_space<hbm>>) target(%arg16 : memref<80xi32, #tpu.memory_space<vmem>>) target_semaphore(%arg22 : memref<!tpu.dma_semaphore, #tpu.memory_space<semaphore_mem>>)
          %dma_wait3A_203 = arith.constant 0 : i32
          %dma_wait3A_204 = tpu.memref_slice %arg4[%dma_wait3A_203] : memref<160000xi32, #tpu.memory_space<hbm>> -> memref<80xi32, #tpu.memory_space<hbm>>
          %dma_wait3A_205 = arith.constant 0 : i32
          %dma_wait3A_206 = tpu.memref_slice %arg4[%dma_wait3A_205] : memref<160000xi32, #tpu.memory_space<hbm>> -> memref<80xi32, #tpu.memory_space<hbm>>
          tpu.wait_dma2 semaphore(%arg20 : memref<!tpu.dma_semaphore, #tpu.memory_space<semaphore_mem>>) src(%dma_wait3A_206 : memref<80xi32, #tpu.memory_space<hbm>>) dst(%arg14 : memref<80xi32, #tpu.memory_space<vmem>>)
          %dma_start3A_207 = arith.constant 0 : i32
          %dma_start3A_208 = arith.constant 0 : i32
          %dma_start3A_209 = tpu.memref_slice %arg2[%dma_start3A_207, %dma_start3A_208] : memref<10000x128xf32, #tpu.memory_space<hbm>> -> memref<10000x128xf32, #tpu.memory_space<hbm>>
          tpu.enqueue_indirect_dma source(%dma_start3A_209 : memref<10000x128xf32, #tpu.memory_space<hbm>>) target(%arg18 : memref<80x128xf32, #tpu.memory_space<vmem>>) offsets(%arg14 : memref<80xi32, #tpu.memory_space<vmem>>) semaphore(%arg24 : memref<!tpu.dma_semaphore, #tpu.memory_space<semaphore_mem>>)
          %add3A_210 = arith.constant 3 : i32
          %add3A_211 = arith.addi %add3A_141, %add3A_210 : i32
          %mul3A_212 = arith.constant 10000 : i32
          %mul3A_213 = arith.muli %arg1, %mul3A_212 : i32
          %mul3A_214 = arith.constant 80 : i32
          %mul3A_215 = arith.muli %add3A_211, %mul3A_214 : i32
          %add3A_216 = arith.addi %mul3A_213, %mul3A_215 : i32
          %dma_start3A_217 = tpu.memref_slice %arg4[%add3A_216] : memref<160000xi32, #tpu.memory_space<hbm>> -> memref<80xi32, #tpu.memory_space<hbm>>
          %dma_start3A_218 = tpu.memref_slice %arg4[%add3A_216] : memref<160000xi32, #tpu.memory_space<hbm>> -> memref<80xi32, #tpu.memory_space<hbm>>
          tpu.enqueue_dma source(%dma_start3A_218 : memref<80xi32, #tpu.memory_space<hbm>>) target(%arg13 : memref<80xi32, #tpu.memory_space<vmem>>) target_semaphore(%arg19 : memref<!tpu.dma_semaphore, #tpu.memory_space<semaphore_mem>>)
        } else {
        }
      }
      %scan3A_129 = arith.constant 62 : i32
      %dma_wait3A_130 = arith.constant 0 : i32
      %dma_wait3A_131 = arith.constant 0 : i32
      %dma_wait3A_132 = tpu.memref_slice %arg12[%dma_wait3A_130, %dma_wait3A_131] : memref<10240x128xf32, #tpu.memory_space<vmem_shared>> -> memref<10240x128xf32, #tpu.memory_space<vmem_shared>>
      tpu.wait_indirect_dma semaphore(%arg25 : memref<!tpu.dma_semaphore, #tpu.memory_space<semaphore_mem>>) src(%arg17 : memref<80x128xf32, #tpu.memory_space<vmem>>) dst(%dma_wait3A_132 : memref<10240x128xf32, #tpu.memory_space<vmem_shared>>)
    } else {
    }
    %eq3A_9 = arith.constant 1 : i32
    %eq3A_10 = arith.cmpi eq, %arg0, %eq3A_9 : i32
    %convert_element_type3A_11 = arith.extui %eq3A_10 : i1 to i32
    %cond3A_12 = arith.constant 0 : i32
    %cond3A_13 = arith.cmpi ne, %convert_element_type3A_11, %cond3A_12 : i32
    scf.if %cond3A_13 {
      %mul3A_71 = arith.constant 10000 : i32
      %mul3A_72 = arith.muli %arg1, %mul3A_71 : i32
      %add3A_73 = arith.constant 0 : i32
      %add3A_74 = arith.addi %mul3A_72, %add3A_73 : i32
      %dma_start3A_75 = tpu.memref_slice %arg4[%add3A_74] : memref<160000xi32, #tpu.memory_space<hbm>> -> memref<80xi32, #tpu.memory_space<hbm>>
      %dma_start3A_76 = tpu.memref_slice %arg4[%add3A_74] : memref<160000xi32, #tpu.memory_space<hbm>> -> memref<80xi32, #tpu.memory_space<hbm>>
      tpu.enqueue_dma source(%dma_start3A_76 : memref<80xi32, #tpu.memory_space<hbm>>) target(%arg13 : memref<80xi32, #tpu.memory_space<vmem>>) target_semaphore(%arg19 : memref<!tpu.dma_semaphore, #tpu.memory_space<semaphore_mem>>)
      %mul3A_77 = arith.constant 10000 : i32
      %mul3A_78 = arith.muli %arg1, %mul3A_77 : i32
      %add3A_79 = arith.constant 0 : i32
      %add3A_80 = arith.addi %mul3A_78, %add3A_79 : i32
      %dma_start3A_81 = tpu.memref_slice %arg5[%add3A_80] : memref<160000xi32, #tpu.memory_space<hbm>> -> memref<80xi32, #tpu.memory_space<hbm>>
      %dma_start3A_82 = tpu.memref_slice %arg5[%add3A_80] : memref<160000xi32, #tpu.memory_space<hbm>> -> memref<80xi32, #tpu.memory_space<hbm>>
      tpu.enqueue_dma source(%dma_start3A_82 : memref<80xi32, #tpu.memory_space<hbm>>) target(%arg15 : memref<80xi32, #tpu.memory_space<vmem>>) target_semaphore(%arg21 : memref<!tpu.dma_semaphore, #tpu.memory_space<semaphore_mem>>)
      %dma_wait3A_83 = arith.constant 0 : i32
      %dma_wait3A_84 = tpu.memref_slice %arg4[%dma_wait3A_83] : memref<160000xi32, #tpu.memory_space<hbm>> -> memref<80xi32, #tpu.memory_space<hbm>>
      %dma_wait3A_85 = arith.constant 0 : i32
      %dma_wait3A_86 = tpu.memref_slice %arg4[%dma_wait3A_85] : memref<160000xi32, #tpu.memory_space<hbm>> -> memref<80xi32, #tpu.memory_space<hbm>>
      tpu.wait_dma2 semaphore(%arg19 : memref<!tpu.dma_semaphore, #tpu.memory_space<semaphore_mem>>) src(%dma_wait3A_86 : memref<80xi32, #tpu.memory_space<hbm>>) dst(%arg13 : memref<80xi32, #tpu.memory_space<vmem>>)
      %dma_start3A_87 = arith.constant 0 : i32
      %dma_start3A_88 = arith.constant 0 : i32
      %dma_start3A_89 = tpu.memref_slice %arg3[%dma_start3A_87, %dma_start3A_88] : memref<10000x128xf32, #tpu.memory_space<hbm>> -> memref<10000x128xf32, #tpu.memory_space<hbm>>
      tpu.enqueue_indirect_dma source(%dma_start3A_89 : memref<10000x128xf32, #tpu.memory_space<hbm>>) target(%arg17 : memref<80x128xf32, #tpu.memory_space<vmem>>) offsets(%arg13 : memref<80xi32, #tpu.memory_space<vmem>>) semaphore(%arg23 : memref<!tpu.dma_semaphore, #tpu.memory_space<semaphore_mem>>)
      %mul3A_90 = arith.constant 10000 : i32
      %mul3A_91 = arith.muli %arg1, %mul3A_90 : i32
      %add3A_92 = arith.constant 80 : i32
      %add3A_93 = arith.addi %mul3A_91, %add3A_92 : i32
      %dma_start3A_94 = tpu.memref_slice %arg4[%add3A_93] : memref<160000xi32, #tpu.memory_space<hbm>> -> memref<80xi32, #tpu.memory_space<hbm>>
      %dma_start3A_95 = tpu.memref_slice %arg4[%add3A_93] : memref<160000xi32, #tpu.memory_space<hbm>> -> memref<80xi32, #tpu.memory_space<hbm>>
      tpu.enqueue_dma source(%dma_start3A_95 : memref<80xi32, #tpu.memory_space<hbm>>) target(%arg14 : memref<80xi32, #tpu.memory_space<vmem>>) target_semaphore(%arg20 : memref<!tpu.dma_semaphore, #tpu.memory_space<semaphore_mem>>)
      %mul3A_96 = arith.constant 10000 : i32
      %mul3A_97 = arith.muli %arg1, %mul3A_96 : i32
      %add3A_98 = arith.constant 80 : i32
      %add3A_99 = arith.addi %mul3A_97, %add3A_98 : i32
      %dma_start3A_100 = tpu.memref_slice %arg5[%add3A_99] : memref<160000xi32, #tpu.memory_space<hbm>> -> memref<80xi32, #tpu.memory_space<hbm>>
      %dma_start3A_101 = tpu.memref_slice %arg5[%add3A_99] : memref<160000xi32, #tpu.memory_space<hbm>> -> memref<80xi32, #tpu.memory_space<hbm>>
      tpu.enqueue_dma source(%dma_start3A_101 : memref<80xi32, #tpu.memory_space<hbm>>) target(%arg16 : memref<80xi32, #tpu.memory_space<vmem>>) target_semaphore(%arg22 : memref<!tpu.dma_semaphore, #tpu.memory_space<semaphore_mem>>)
      %dma_wait3A_102 = arith.constant 0 : i32
      %dma_wait3A_103 = arith.constant 0 : i32
      %dma_wait3A_104 = tpu.memref_slice %arg3[%dma_wait3A_102, %dma_wait3A_103] : memref<10000x128xf32, #tpu.memory_space<hbm>> -> memref<10000x128xf32, #tpu.memory_space<hbm>>
      tpu.wait_indirect_dma semaphore(%arg23 : memref<!tpu.dma_semaphore, #tpu.memory_space<semaphore_mem>>) src(%dma_wait3A_104 : memref<10000x128xf32, #tpu.memory_space<hbm>>) dst(%arg17 : memref<80x128xf32, #tpu.memory_space<vmem>>)
      %dma_wait3A_105 = arith.constant 0 : i32
      %dma_wait3A_106 = tpu.memref_slice %arg5[%dma_wait3A_105] : memref<160000xi32, #tpu.memory_space<hbm>> -> memref<80xi32, #tpu.memory_space<hbm>>
      %dma_wait3A_107 = arith.constant 0 : i32
      %dma_wait3A_108 = tpu.memref_slice %arg5[%dma_wait3A_107] : memref<160000xi32, #tpu.memory_space<hbm>> -> memref<80xi32, #tpu.memory_space<hbm>>
      tpu.wait_dma2 semaphore(%arg21 : memref<!tpu.dma_semaphore, #tpu.memory_space<semaphore_mem>>) src(%dma_wait3A_108 : memref<80xi32, #tpu.memory_space<hbm>>) dst(%arg15 : memref<80xi32, #tpu.memory_space<vmem>>)
      %dma_start3A_109 = arith.constant 0 : i32
      %dma_start3A_110 = arith.constant 0 : i32
      %dma_start3A_111 = tpu.memref_slice %arg12[%dma_start3A_109, %dma_start3A_110] : memref<10240x128xf32, #tpu.memory_space<vmem_shared>> -> memref<10240x128xf32, #tpu.memory_space<vmem_shared>>
      tpu.enqueue_indirect_dma source(%arg17 : memref<80x128xf32, #tpu.memory_space<vmem>>) target(%dma_start3A_111 : memref<10240x128xf32, #tpu.memory_space<vmem_shared>>) offsets(%arg15 : memref<80xi32, #tpu.memory_space<vmem>>) semaphore(%arg25 : memref<!tpu.dma_semaphore, #tpu.memory_space<semaphore_mem>>) {add = true}
      %dma_wait3A_112 = arith.constant 0 : i32
      %dma_wait3A_113 = tpu.memref_slice %arg4[%dma_wait3A_112] : memref<160000xi32, #tpu.memory_space<hbm>> -> memref<80xi32, #tpu.memory_space<hbm>>
      %dma_wait3A_114 = arith.constant 0 : i32
      %dma_wait3A_115 = tpu.memref_slice %arg4[%dma_wait3A_114] : memref<160000xi32, #tpu.memory_space<hbm>> -> memref<80xi32, #tpu.memory_space<hbm>>
      tpu.wait_dma2 semaphore(%arg20 : memref<!tpu.dma_semaphore, #tpu.memory_space<semaphore_mem>>) src(%dma_wait3A_115 : memref<80xi32, #tpu.memory_space<hbm>>) dst(%arg14 : memref<80xi32, #tpu.memory_space<vmem>>)
      %dma_start3A_116 = arith.constant 0 : i32
      %dma_start3A_117 = arith.constant 0 : i32
      %dma_start3A_118 = tpu.memref_slice %arg3[%dma_start3A_116, %dma_start3A_117] : memref<10000x128xf32, #tpu.memory_space<hbm>> -> memref<10000x128xf32, #tpu.memory_space<hbm>>
      tpu.enqueue_indirect_dma source(%dma_start3A_118 : memref<10000x128xf32, #tpu.memory_space<hbm>>) target(%arg18 : memref<80x128xf32, #tpu.memory_space<vmem>>) offsets(%arg14 : memref<80xi32, #tpu.memory_space<vmem>>) semaphore(%arg24 : memref<!tpu.dma_semaphore, #tpu.memory_space<semaphore_mem>>)
      %mul3A_119 = arith.constant 10000 : i32
      %mul3A_120 = arith.muli %arg1, %mul3A_119 : i32
      %add3A_121 = arith.constant 160 : i32
      %add3A_122 = arith.addi %mul3A_120, %add3A_121 : i32
      %dma_start3A_123 = tpu.memref_slice %arg4[%add3A_122] : memref<160000xi32, #tpu.memory_space<hbm>> -> memref<80xi32, #tpu.memory_space<hbm>>
      %dma_start3A_124 = tpu.memref_slice %arg4[%add3A_122] : memref<160000xi32, #tpu.memory_space<hbm>> -> memref<80xi32, #tpu.memory_space<hbm>>
      tpu.enqueue_dma source(%dma_start3A_124 : memref<80xi32, #tpu.memory_space<hbm>>) target(%arg13 : memref<80xi32, #tpu.memory_space<vmem>>) target_semaphore(%arg19 : memref<!tpu.dma_semaphore, #tpu.memory_space<semaphore_mem>>)
      %scan3A_125 = arith.constant 0 : i32
      %scan3A_126 = arith.constant 62 : i32
      %scan3A_127 = arith.addi %scan3A_125, %scan3A_126 : i32
      %scan3A_128 = arith.constant 1 : i32
      scf.for %scan3A_133 = %scan3A_125 to %scan3A_127 step %scan3A_128  : i32 {
        %mul3A_134 = arith.constant 1 : i32
        %mul3A_135 = arith.muli %scan3A_133, %mul3A_134 : i32
        %add3A_136 = arith.constant 0 : i32
        %add3A_137 = arith.addi %add3A_136, %mul3A_135 : i32
        %mul3A_138 = arith.constant 2 : i32
        %mul3A_139 = arith.muli %mul3A_138, %add3A_137 : i32
        %add3A_140 = arith.constant 1 : i32
        %add3A_141 = arith.addi %add3A_140, %mul3A_139 : i32
        %dma_wait3A_142 = arith.constant 0 : i32
        %dma_wait3A_143 = arith.constant 0 : i32
        %dma_wait3A_144 = tpu.memref_slice %arg3[%dma_wait3A_142, %dma_wait3A_143] : memref<10000x128xf32, #tpu.memory_space<hbm>> -> memref<10000x128xf32, #tpu.memory_space<hbm>>
        tpu.wait_indirect_dma semaphore(%arg24 : memref<!tpu.dma_semaphore, #tpu.memory_space<semaphore_mem>>) src(%dma_wait3A_144 : memref<10000x128xf32, #tpu.memory_space<hbm>>) dst(%arg18 : memref<80x128xf32, #tpu.memory_space<vmem>>)
        %dma_wait3A_145 = arith.constant 0 : i32
        %dma_wait3A_146 = tpu.memref_slice %arg5[%dma_wait3A_145] : memref<160000xi32, #tpu.memory_space<hbm>> -> memref<80xi32, #tpu.memory_space<hbm>>
        %dma_wait3A_147 = arith.constant 0 : i32
        %dma_wait3A_148 = tpu.memref_slice %arg5[%dma_wait3A_147] : memref<160000xi32, #tpu.memory_space<hbm>> -> memref<80xi32, #tpu.memory_space<hbm>>
        tpu.wait_dma2 semaphore(%arg22 : memref<!tpu.dma_semaphore, #tpu.memory_space<semaphore_mem>>) src(%dma_wait3A_148 : memref<80xi32, #tpu.memory_space<hbm>>) dst(%arg16 : memref<80xi32, #tpu.memory_space<vmem>>)
        %dma_start3A_149 = arith.constant 0 : i32
        %dma_start3A_150 = arith.constant 0 : i32
        %dma_start3A_151 = tpu.memref_slice %arg12[%dma_start3A_149, %dma_start3A_150] : memref<10240x128xf32, #tpu.memory_space<vmem_shared>> -> memref<10240x128xf32, #tpu.memory_space<vmem_shared>>
        tpu.enqueue_indirect_dma source(%arg18 : memref<80x128xf32, #tpu.memory_space<vmem>>) target(%dma_start3A_151 : memref<10240x128xf32, #tpu.memory_space<vmem_shared>>) offsets(%arg16 : memref<80xi32, #tpu.memory_space<vmem>>) semaphore(%arg26 : memref<!tpu.dma_semaphore, #tpu.memory_space<semaphore_mem>>) {add = true}
        %dma_wait3A_152 = arith.constant 0 : i32
        %dma_wait3A_153 = arith.constant 0 : i32
        %dma_wait3A_154 = tpu.memref_slice %arg12[%dma_wait3A_152, %dma_wait3A_153] : memref<10240x128xf32, #tpu.memory_space<vmem_shared>> -> memref<10240x128xf32, #tpu.memory_space<vmem_shared>>
        tpu.wait_indirect_dma semaphore(%arg25 : memref<!tpu.dma_semaphore, #tpu.memory_space<semaphore_mem>>) src(%arg17 : memref<80x128xf32, #tpu.memory_space<vmem>>) dst(%dma_wait3A_154 : memref<10240x128xf32, #tpu.memory_space<vmem_shared>>)
        %add3A_155 = arith.constant 1 : i32
        %add3A_156 = arith.addi %add3A_141, %add3A_155 : i32
        %mul3A_157 = arith.constant 10000 : i32
        %mul3A_158 = arith.muli %arg1, %mul3A_157 : i32
        %mul3A_159 = arith.constant 80 : i32
        %mul3A_160 = arith.muli %add3A_156, %mul3A_159 : i32
        %add3A_161 = arith.addi %mul3A_158, %mul3A_160 : i32
        %dma_start3A_162 = tpu.memref_slice %arg5[%add3A_161] : memref<160000xi32, #tpu.memory_space<hbm>> -> memref<80xi32, #tpu.memory_space<hbm>>
        %dma_start3A_163 = tpu.memref_slice %arg5[%add3A_161] : memref<160000xi32, #tpu.memory_space<hbm>> -> memref<80xi32, #tpu.memory_space<hbm>>
        tpu.enqueue_dma source(%dma_start3A_163 : memref<80xi32, #tpu.memory_space<hbm>>) target(%arg15 : memref<80xi32, #tpu.memory_space<vmem>>) target_semaphore(%arg21 : memref<!tpu.dma_semaphore, #tpu.memory_space<semaphore_mem>>)
        %dma_wait3A_164 = arith.constant 0 : i32
        %dma_wait3A_165 = tpu.memref_slice %arg4[%dma_wait3A_164] : memref<160000xi32, #tpu.memory_space<hbm>> -> memref<80xi32, #tpu.memory_space<hbm>>
        %dma_wait3A_166 = arith.constant 0 : i32
        %dma_wait3A_167 = tpu.memref_slice %arg4[%dma_wait3A_166] : memref<160000xi32, #tpu.memory_space<hbm>> -> memref<80xi32, #tpu.memory_space<hbm>>
        tpu.wait_dma2 semaphore(%arg19 : memref<!tpu.dma_semaphore, #tpu.memory_space<semaphore_mem>>) src(%dma_wait3A_167 : memref<80xi32, #tpu.memory_space<hbm>>) dst(%arg13 : memref<80xi32, #tpu.memory_space<vmem>>)
        %dma_start3A_168 = arith.constant 0 : i32
        %dma_start3A_169 = arith.constant 0 : i32
        %dma_start3A_170 = tpu.memref_slice %arg3[%dma_start3A_168, %dma_start3A_169] : memref<10000x128xf32, #tpu.memory_space<hbm>> -> memref<10000x128xf32, #tpu.memory_space<hbm>>
        tpu.enqueue_indirect_dma source(%dma_start3A_170 : memref<10000x128xf32, #tpu.memory_space<hbm>>) target(%arg17 : memref<80x128xf32, #tpu.memory_space<vmem>>) offsets(%arg13 : memref<80xi32, #tpu.memory_space<vmem>>) semaphore(%arg23 : memref<!tpu.dma_semaphore, #tpu.memory_space<semaphore_mem>>)
        %lt3A_171 = arith.constant 61 : i32
        %lt3A_172 = arith.cmpi slt, %add3A_137, %lt3A_171 : i32
        %convert_element_type3A_173 = arith.extui %lt3A_172 : i1 to i32
        %cond3A_174 = arith.constant 0 : i32
        %cond3A_175 = arith.cmpi ne, %convert_element_type3A_173, %cond3A_174 : i32
        scf.if %cond3A_175 {
          %add3A_194 = arith.constant 2 : i32
          %add3A_195 = arith.addi %add3A_141, %add3A_194 : i32
          %mul3A_196 = arith.constant 10000 : i32
          %mul3A_197 = arith.muli %arg1, %mul3A_196 : i32
          %mul3A_198 = arith.constant 80 : i32
          %mul3A_199 = arith.muli %add3A_195, %mul3A_198 : i32
          %add3A_200 = arith.addi %mul3A_197, %mul3A_199 : i32
          %dma_start3A_201 = tpu.memref_slice %arg4[%add3A_200] : memref<160000xi32, #tpu.memory_space<hbm>> -> memref<80xi32, #tpu.memory_space<hbm>>
          %dma_start3A_202 = tpu.memref_slice %arg4[%add3A_200] : memref<160000xi32, #tpu.memory_space<hbm>> -> memref<80xi32, #tpu.memory_space<hbm>>
          tpu.enqueue_dma source(%dma_start3A_202 : memref<80xi32, #tpu.memory_space<hbm>>) target(%arg14 : memref<80xi32, #tpu.memory_space<vmem>>) target_semaphore(%arg20 : memref<!tpu.dma_semaphore, #tpu.memory_space<semaphore_mem>>)
        } else {
        }
        %dma_wait3A_176 = arith.constant 0 : i32
        %dma_wait3A_177 = arith.constant 0 : i32
        %dma_wait3A_178 = tpu.memref_slice %arg3[%dma_wait3A_176, %dma_wait3A_177] : memref<10000x128xf32, #tpu.memory_space<hbm>> -> memref<10000x128xf32, #tpu.memory_space<hbm>>
        tpu.wait_indirect_dma semaphore(%arg23 : memref<!tpu.dma_semaphore, #tpu.memory_space<semaphore_mem>>) src(%dma_wait3A_178 : memref<10000x128xf32, #tpu.memory_space<hbm>>) dst(%arg17 : memref<80x128xf32, #tpu.memory_space<vmem>>)
        %dma_wait3A_179 = arith.constant 0 : i32
        %dma_wait3A_180 = tpu.memref_slice %arg5[%dma_wait3A_179] : memref<160000xi32, #tpu.memory_space<hbm>> -> memref<80xi32, #tpu.memory_space<hbm>>
        %dma_wait3A_181 = arith.constant 0 : i32
        %dma_wait3A_182 = tpu.memref_slice %arg5[%dma_wait3A_181] : memref<160000xi32, #tpu.memory_space<hbm>> -> memref<80xi32, #tpu.memory_space<hbm>>
        tpu.wait_dma2 semaphore(%arg21 : memref<!tpu.dma_semaphore, #tpu.memory_space<semaphore_mem>>) src(%dma_wait3A_182 : memref<80xi32, #tpu.memory_space<hbm>>) dst(%arg15 : memref<80xi32, #tpu.memory_space<vmem>>)
        %dma_start3A_183 = arith.constant 0 : i32
        %dma_start3A_184 = arith.constant 0 : i32
        %dma_start3A_185 = tpu.memref_slice %arg12[%dma_start3A_183, %dma_start3A_184] : memref<10240x128xf32, #tpu.memory_space<vmem_shared>> -> memref<10240x128xf32, #tpu.memory_space<vmem_shared>>
        tpu.enqueue_indirect_dma source(%arg17 : memref<80x128xf32, #tpu.memory_space<vmem>>) target(%dma_start3A_185 : memref<10240x128xf32, #tpu.memory_space<vmem_shared>>) offsets(%arg15 : memref<80xi32, #tpu.memory_space<vmem>>) semaphore(%arg25 : memref<!tpu.dma_semaphore, #tpu.memory_space<semaphore_mem>>) {add = true}
        %dma_wait3A_186 = arith.constant 0 : i32
        %dma_wait3A_187 = arith.constant 0 : i32
        %dma_wait3A_188 = tpu.memref_slice %arg12[%dma_wait3A_186, %dma_wait3A_187] : memref<10240x128xf32, #tpu.memory_space<vmem_shared>> -> memref<10240x128xf32, #tpu.memory_space<vmem_shared>>
        tpu.wait_indirect_dma semaphore(%arg26 : memref<!tpu.dma_semaphore, #tpu.memory_space<semaphore_mem>>) src(%arg18 : memref<80x128xf32, #tpu.memory_space<vmem>>) dst(%dma_wait3A_188 : memref<10240x128xf32, #tpu.memory_space<vmem_shared>>)
        %lt3A_189 = arith.constant 61 : i32
        %lt3A_190 = arith.cmpi slt, %add3A_137, %lt3A_189 : i32
        %convert_element_type3A_191 = arith.extui %lt3A_190 : i1 to i32
        %cond3A_192 = arith.constant 0 : i32
        %cond3A_193 = arith.cmpi ne, %convert_element_type3A_191, %cond3A_192 : i32
        scf.if %cond3A_193 {
          %add3A_194 = arith.constant 2 : i32
          %add3A_195 = arith.addi %add3A_141, %add3A_194 : i32
          %mul3A_196 = arith.constant 10000 : i32
          %mul3A_197 = arith.muli %arg1, %mul3A_196 : i32
          %mul3A_198 = arith.constant 80 : i32
          %mul3A_199 = arith.muli %add3A_195, %mul3A_198 : i32
          %add3A_200 = arith.addi %mul3A_197, %mul3A_199 : i32
          %dma_start3A_201 = tpu.memref_slice %arg5[%add3A_200] : memref<160000xi32, #tpu.memory_space<hbm>> -> memref<80xi32, #tpu.memory_space<hbm>>
          %dma_start3A_202 = tpu.memref_slice %arg5[%add3A_200] : memref<160000xi32, #tpu.memory_space<hbm>> -> memref<80xi32, #tpu.memory_space<hbm>>
          tpu.enqueue_dma source(%dma_start3A_202 : memref<80xi32, #tpu.memory_space<hbm>>) target(%arg16 : memref<80xi32, #tpu.memory_space<vmem>>) target_semaphore(%arg22 : memref<!tpu.dma_semaphore, #tpu.memory_space<semaphore_mem>>)
          %dma_wait3A_203 = arith.constant 0 : i32
          %dma_wait3A_204 = tpu.memref_slice %arg4[%dma_wait3A_203] : memref<160000xi32, #tpu.memory_space<hbm>> -> memref<80xi32, #tpu.memory_space<hbm>>
          %dma_wait3A_205 = arith.constant 0 : i32
          %dma_wait3A_206 = tpu.memref_slice %arg4[%dma_wait3A_205] : memref<160000xi32, #tpu.memory_space<hbm>> -> memref<80xi32, #tpu.memory_space<hbm>>
          tpu.wait_dma2 semaphore(%arg20 : memref<!tpu.dma_semaphore, #tpu.memory_space<semaphore_mem>>) src(%dma_wait3A_206 : memref<80xi32, #tpu.memory_space<hbm>>) dst(%arg14 : memref<80xi32, #tpu.memory_space<vmem>>)
          %dma_start3A_207 = arith.constant 0 : i32
          %dma_start3A_208 = arith.constant 0 : i32
          %dma_start3A_209 = tpu.memref_slice %arg3[%dma_start3A_207, %dma_start3A_208] : memref<10000x128xf32, #tpu.memory_space<hbm>> -> memref<10000x128xf32, #tpu.memory_space<hbm>>
          tpu.enqueue_indirect_dma source(%dma_start3A_209 : memref<10000x128xf32, #tpu.memory_space<hbm>>) target(%arg18 : memref<80x128xf32, #tpu.memory_space<vmem>>) offsets(%arg14 : memref<80xi32, #tpu.memory_space<vmem>>) semaphore(%arg24 : memref<!tpu.dma_semaphore, #tpu.memory_space<semaphore_mem>>)
          %add3A_210 = arith.constant 3 : i32
          %add3A_211 = arith.addi %add3A_141, %add3A_210 : i32
          %mul3A_212 = arith.constant 10000 : i32
          %mul3A_213 = arith.muli %arg1, %mul3A_212 : i32
          %mul3A_214 = arith.constant 80 : i32
          %mul3A_215 = arith.muli %add3A_211, %mul3A_214 : i32
          %add3A_216 = arith.addi %mul3A_213, %mul3A_215 : i32
          %dma_start3A_217 = tpu.memref_slice %arg4[%add3A_216] : memref<160000xi32, #tpu.memory_space<hbm>> -> memref<80xi32, #tpu.memory_space<hbm>>
          %dma_start3A_218 = tpu.memref_slice %arg4[%add3A_216] : memref<160000xi32, #tpu.memory_space<hbm>> -> memref<80xi32, #tpu.memory_space<hbm>>
          tpu.enqueue_dma source(%dma_start3A_218 : memref<80xi32, #tpu.memory_space<hbm>>) target(%arg13 : memref<80xi32, #tpu.memory_space<vmem>>) target_semaphore(%arg19 : memref<!tpu.dma_semaphore, #tpu.memory_space<semaphore_mem>>)
        } else {
        }
      }
      %scan3A_129 = arith.constant 62 : i32
      %dma_wait3A_130 = arith.constant 0 : i32
      %dma_wait3A_131 = arith.constant 0 : i32
      %dma_wait3A_132 = tpu.memref_slice %arg12[%dma_wait3A_130, %dma_wait3A_131] : memref<10240x128xf32, #tpu.memory_space<vmem_shared>> -> memref<10240x128xf32, #tpu.memory_space<vmem_shared>>
      tpu.wait_indirect_dma semaphore(%arg25 : memref<!tpu.dma_semaphore, #tpu.memory_space<semaphore_mem>>) src(%arg17 : memref<80x128xf32, #tpu.memory_space<vmem>>) dst(%dma_wait3A_132 : memref<10240x128xf32, #tpu.memory_space<vmem_shared>>)
    } else {
    }
    %barrier3A_14 = arith.constant 0 : index
    tpu.barrier barrier_id(%barrier3A_14)
    %eq3A_15 = arith.constant 0 : i32
    %eq3A_16 = arith.cmpi eq, %arg0, %eq3A_15 : i32
    %convert_element_type3A_17 = arith.extui %eq3A_16 : i1 to i32
    %cond3A_18 = arith.constant 0 : i32
    %cond3A_19 = arith.cmpi ne, %convert_element_type3A_17, %cond3A_18 : i32
    scf.if %cond3A_19 {
      %scan3A_71 = arith.constant 0 : i32
      %scan3A_72 = arith.constant 8 : i32
      %scan3A_73 = arith.addi %scan3A_71, %scan3A_72 : i32
      %scan3A_74 = arith.constant 1 : i32
      scf.for %scan3A_76 = %scan3A_71 to %scan3A_73 step %scan3A_74  : i32 {
        %mul3A_77 = arith.constant 1 : i32
        %mul3A_78 = arith.muli %scan3A_76, %mul3A_77 : i32
        %add3A_79 = arith.constant 0 : i32
        %add3A_80 = arith.addi %add3A_79, %mul3A_78 : i32
        %mul3A_81 = arith.constant 80 : i32
        %mul3A_82 = arith.muli %add3A_80, %mul3A_81 : i32
        %add3A_83 = arith.addi %mul3A_2, %mul3A_82 : i32
        "tpu.region"() ({
          %run_scoped3A = tpu.sem_alloc : memref<!tpu.dma_semaphore, #tpu.memory_space<semaphore_mem>>
          %dma_start3A_84 = arith.constant 0 : i32
          %dma_start3A_85 = tpu.memref_slice %arg12[%add3A_83, %dma_start3A_84] : memref<10240x128xf32, #tpu.memory_space<vmem_shared>> -> memref<80x128xf32, #tpu.memory_space<vmem_shared>>
          %dma_start3A_86 = arith.constant 0 : i32
          %dma_start3A_87 = tpu.memref_slice %arg12[%add3A_83, %dma_start3A_86] : memref<10240x128xf32, #tpu.memory_space<vmem_shared>> -> memref<80x128xf32, #tpu.memory_space<vmem_shared>>
          tpu.enqueue_dma source(%dma_start3A_87 : memref<80x128xf32, #tpu.memory_space<vmem_shared>>) target(%arg17 : memref<80x128xf32, #tpu.memory_space<vmem>>) target_semaphore(%run_scoped3A : memref<!tpu.dma_semaphore, #tpu.memory_space<semaphore_mem>>)
          %dma_wait3A_88 = arith.constant 0 : i32
          %dma_wait3A_89 = tpu.memref_slice %arg12[%add3A_83, %dma_wait3A_88] : memref<10240x128xf32, #tpu.memory_space<vmem_shared>> -> memref<80x128xf32, #tpu.memory_space<vmem_shared>>
          %dma_wait3A_90 = arith.constant 0 : i32
          %dma_wait3A_91 = tpu.memref_slice %arg12[%add3A_83, %dma_wait3A_90] : memref<10240x128xf32, #tpu.memory_space<vmem_shared>> -> memref<80x128xf32, #tpu.memory_space<vmem_shared>>
          tpu.wait_dma2 semaphore(%run_scoped3A : memref<!tpu.dma_semaphore, #tpu.memory_space<semaphore_mem>>) src(%dma_wait3A_91 : memref<80x128xf32, #tpu.memory_space<vmem_shared>>) dst(%arg17 : memref<80x128xf32, #tpu.memory_space<vmem>>)
          tpu.yield
        }) : () -> ()
        "tpu.region"() ({
          %run_scoped3A = tpu.sem_alloc : memref<!tpu.dma_semaphore, #tpu.memory_space<semaphore_mem>>
          %dma_start3A_84 = arith.constant 0 : i32
          %dma_start3A_85 = tpu.memref_slice %arg8[%add3A_83, %dma_start3A_84] : memref<10240x128xf32, #tpu.memory_space<hbm>> -> memref<80x128xf32, #tpu.memory_space<hbm>>
          %dma_start3A_86 = arith.constant 0 : i32
          %dma_start3A_87 = tpu.memref_slice %arg8[%add3A_83, %dma_start3A_86] : memref<10240x128xf32, #tpu.memory_space<hbm>> -> memref<80x128xf32, #tpu.memory_space<hbm>>
          tpu.enqueue_dma source(%arg17 : memref<80x128xf32, #tpu.memory_space<vmem>>) target(%dma_start3A_87 : memref<80x128xf32, #tpu.memory_space<hbm>>) target_semaphore(%run_scoped3A : memref<!tpu.dma_semaphore, #tpu.memory_space<semaphore_mem>>)
          %dma_wait3A_88 = arith.constant 0 : i32
          %dma_wait3A_89 = tpu.memref_slice %arg8[%add3A_83, %dma_wait3A_88] : memref<10240x128xf32, #tpu.memory_space<hbm>> -> memref<80x128xf32, #tpu.memory_space<hbm>>
          %dma_wait3A_90 = arith.constant 0 : i32
          %dma_wait3A_91 = tpu.memref_slice %arg8[%add3A_83, %dma_wait3A_90] : memref<10240x128xf32, #tpu.memory_space<hbm>> -> memref<80x128xf32, #tpu.memory_space<hbm>>
          tpu.wait_dma2 semaphore(%run_scoped3A : memref<!tpu.dma_semaphore, #tpu.memory_space<semaphore_mem>>) src(%arg17 : memref<80x128xf32, #tpu.memory_space<vmem>>) dst(%dma_wait3A_91 : memref<80x128xf32, #tpu.memory_space<hbm>>)
          tpu.yield
        }) : () -> ()
      }
      %scan3A_75 = arith.constant 8 : i32
    } else {
    }
    %eq3A_20 = arith.constant 1 : i32
    %eq3A_21 = arith.cmpi eq, %arg0, %eq3A_20 : i32
    %convert_element_type3A_22 = arith.extui %eq3A_21 : i1 to i32
    %cond3A_23 = arith.constant 0 : i32
    %cond3A_24 = arith.cmpi ne, %convert_element_type3A_22, %cond3A_23 : i32
    scf.if %cond3A_24 {
      %scan3A_71 = arith.constant 0 : i32
      %scan3A_72 = arith.constant 8 : i32
      %scan3A_73 = arith.addi %scan3A_71, %scan3A_72 : i32
      %scan3A_74 = arith.constant 1 : i32
      scf.for %scan3A_76 = %scan3A_71 to %scan3A_73 step %scan3A_74  : i32 {
        %mul3A_77 = arith.constant 1 : i32
        %mul3A_78 = arith.muli %scan3A_76, %mul3A_77 : i32
        %add3A_79 = arith.constant 0 : i32
        %add3A_80 = arith.addi %add3A_79, %mul3A_78 : i32
        %mul3A_81 = arith.constant 80 : i32
        %mul3A_82 = arith.muli %add3A_80, %mul3A_81 : i32
        %add3A_83 = arith.addi %mul3A_2, %mul3A_82 : i32
        "tpu.region"() ({
          %run_scoped3A = tpu.sem_alloc : memref<!tpu.dma_semaphore, #tpu.memory_space<semaphore_mem>>
          %dma_start3A_84 = arith.constant 0 : i32
          %dma_start3A_85 = tpu.memref_slice %arg12[%add3A_83, %dma_start3A_84] : memref<10240x128xf32, #tpu.memory_space<vmem_shared>> -> memref<80x128xf32, #tpu.memory_space<vmem_shared>>
          %dma_start3A_86 = arith.constant 0 : i32
          %dma_start3A_87 = tpu.memref_slice %arg12[%add3A_83, %dma_start3A_86] : memref<10240x128xf32, #tpu.memory_space<vmem_shared>> -> memref<80x128xf32, #tpu.memory_space<vmem_shared>>
          tpu.enqueue_dma source(%dma_start3A_87 : memref<80x128xf32, #tpu.memory_space<vmem_shared>>) target(%arg17 : memref<80x128xf32, #tpu.memory_space<vmem>>) target_semaphore(%run_scoped3A : memref<!tpu.dma_semaphore, #tpu.memory_space<semaphore_mem>>)
          %dma_wait3A_88 = arith.constant 0 : i32
          %dma_wait3A_89 = tpu.memref_slice %arg12[%add3A_83, %dma_wait3A_88] : memref<10240x128xf32, #tpu.memory_space<vmem_shared>> -> memref<80x128xf32, #tpu.memory_space<vmem_shared>>
          %dma_wait3A_90 = arith.constant 0 : i32
          %dma_wait3A_91 = tpu.memref_slice %arg12[%add3A_83, %dma_wait3A_90] : memref<10240x128xf32, #tpu.memory_space<vmem_shared>> -> memref<80x128xf32, #tpu.memory_space<vmem_shared>>
          tpu.wait_dma2 semaphore(%run_scoped3A : memref<!tpu.dma_semaphore, #tpu.memory_space<semaphore_mem>>) src(%dma_wait3A_91 : memref<80x128xf32, #tpu.memory_space<vmem_shared>>) dst(%arg17 : memref<80x128xf32, #tpu.memory_space<vmem>>)
          tpu.yield
        }) : () -> ()
        "tpu.region"() ({
          %run_scoped3A = tpu.sem_alloc : memref<!tpu.dma_semaphore, #tpu.memory_space<semaphore_mem>>
          %dma_start3A_84 = arith.constant 0 : i32
          %dma_start3A_85 = tpu.memref_slice %arg9[%add3A_83, %dma_start3A_84] : memref<10240x128xf32, #tpu.memory_space<hbm>> -> memref<80x128xf32, #tpu.memory_space<hbm>>
          %dma_start3A_86 = arith.constant 0 : i32
          %dma_start3A_87 = tpu.memref_slice %arg9[%add3A_83, %dma_start3A_86] : memref<10240x128xf32, #tpu.memory_space<hbm>> -> memref<80x128xf32, #tpu.memory_space<hbm>>
          tpu.enqueue_dma source(%arg17 : memref<80x128xf32, #tpu.memory_space<vmem>>) target(%dma_start3A_87 : memref<80x128xf32, #tpu.memory_space<hbm>>) target_semaphore(%run_scoped3A : memref<!tpu.dma_semaphore, #tpu.memory_space<semaphore_mem>>)
          %dma_wait3A_88 = arith.constant 0 : i32
          %dma_wait3A_89 = tpu.memref_slice %arg9[%add3A_83, %dma_wait3A_88] : memref<10240x128xf32, #tpu.memory_space<hbm>> -> memref<80x128xf32, #tpu.memory_space<hbm>>
          %dma_wait3A_90 = arith.constant 0 : i32
          %dma_wait3A_91 = tpu.memref_slice %arg9[%add3A_83, %dma_wait3A_90] : memref<10240x128xf32, #tpu.memory_space<hbm>> -> memref<80x128xf32, #tpu.memory_space<hbm>>
          tpu.wait_dma2 semaphore(%run_scoped3A : memref<!tpu.dma_semaphore, #tpu.memory_space<semaphore_mem>>) src(%arg17 : memref<80x128xf32, #tpu.memory_space<vmem>>) dst(%dma_wait3A_91 : memref<80x128xf32, #tpu.memory_space<hbm>>)
          tpu.yield
        }) : () -> ()
      }
      %scan3A_75 = arith.constant 8 : i32
    } else {
    }
    %barrier3A_25 = arith.constant 0 : index
    tpu.barrier barrier_id(%barrier3A_25)
    "tpu.region"() ({
      %run_scoped3A = tpu.sem_alloc : memref<!tpu.dma_semaphore, #tpu.memory_space<semaphore_mem>>
      tpu.enqueue_dma source(%arg6 : memref<80x128xf32, #tpu.memory_space<hbm>>) target(%arg17 : memref<80x128xf32, #tpu.memory_space<vmem>>) target_semaphore(%run_scoped3A : memref<!tpu.dma_semaphore, #tpu.memory_space<semaphore_mem>>)
      tpu.wait_dma2 semaphore(%run_scoped3A : memref<!tpu.dma_semaphore, #tpu.memory_space<semaphore_mem>>) src(%arg6 : memref<80x128xf32, #tpu.memory_space<hbm>>) dst(%arg17 : memref<80x128xf32, #tpu.memory_space<vmem>>)
      tpu.yield
    }) : () -> ()
    %scan3A_26 = arith.constant 0 : i32
    %scan3A_27 = arith.constant 8 : i32
    %scan3A_28 = arith.addi %scan3A_26, %scan3A_27 : i32
    %scan3A_29 = arith.constant 1 : i32
    scf.for %scan3A_71 = %scan3A_26 to %scan3A_28 step %scan3A_29  : i32 {
      %mul3A_72 = arith.constant 1 : i32
      %mul3A_73 = arith.muli %scan3A_71, %mul3A_72 : i32
      %add3A_74 = arith.constant 0 : i32
      %add3A_75 = arith.addi %add3A_74, %mul3A_73 : i32
      %mul3A_76 = arith.constant 80 : i32
      %mul3A_77 = arith.muli %add3A_75, %mul3A_76 : i32
      %add3A_78 = arith.addi %mul3A_2, %mul3A_77 : i32
      "tpu.region"() ({
        %run_scoped3A = tpu.sem_alloc : memref<!tpu.dma_semaphore, #tpu.memory_space<semaphore_mem>>
        %dma_start3A_79 = arith.constant 0 : i32
        %dma_start3A_80 = tpu.memref_slice %arg12[%add3A_78, %dma_start3A_79] : memref<10240x128xf32, #tpu.memory_space<vmem_shared>> -> memref<80x128xf32, #tpu.memory_space<vmem_shared>>
        %dma_start3A_81 = arith.constant 0 : i32
        %dma_start3A_82 = tpu.memref_slice %arg12[%add3A_78, %dma_start3A_81] : memref<10240x128xf32, #tpu.memory_space<vmem_shared>> -> memref<80x128xf32, #tpu.memory_space<vmem_shared>>
        tpu.enqueue_dma source(%arg17 : memref<80x128xf32, #tpu.memory_space<vmem>>) target(%dma_start3A_82 : memref<80x128xf32, #tpu.memory_space<vmem_shared>>) target_semaphore(%run_scoped3A : memref<!tpu.dma_semaphore, #tpu.memory_space<semaphore_mem>>)
        %dma_wait3A_83 = arith.constant 0 : i32
        %dma_wait3A_84 = tpu.memref_slice %arg12[%add3A_78, %dma_wait3A_83] : memref<10240x128xf32, #tpu.memory_space<vmem_shared>> -> memref<80x128xf32, #tpu.memory_space<vmem_shared>>
        %dma_wait3A_85 = arith.constant 0 : i32
        %dma_wait3A_86 = tpu.memref_slice %arg12[%add3A_78, %dma_wait3A_85] : memref<10240x128xf32, #tpu.memory_space<vmem_shared>> -> memref<80x128xf32, #tpu.memory_space<vmem_shared>>
        tpu.wait_dma2 semaphore(%run_scoped3A : memref<!tpu.dma_semaphore, #tpu.memory_space<semaphore_mem>>) src(%arg17 : memref<80x128xf32, #tpu.memory_space<vmem>>) dst(%dma_wait3A_86 : memref<80x128xf32, #tpu.memory_space<vmem_shared>>)
        tpu.yield
      }) : () -> ()
    }
    %scan3A_30 = arith.constant 8 : i32
    "tpu.region"() ({
      %run_scoped3A = tpu.sem_alloc : memref<!tpu.dma_semaphore, #tpu.memory_space<semaphore_mem>>
      tpu.enqueue_dma source(%arg7 : memref<80x128xf32, #tpu.memory_space<hbm>>) target(%arg18 : memref<80x128xf32, #tpu.memory_space<vmem>>) target_semaphore(%run_scoped3A : memref<!tpu.dma_semaphore, #tpu.memory_space<semaphore_mem>>)
      tpu.wait_dma2 semaphore(%run_scoped3A : memref<!tpu.dma_semaphore, #tpu.memory_space<semaphore_mem>>) src(%arg7 : memref<80x128xf32, #tpu.memory_space<hbm>>) dst(%arg18 : memref<80x128xf32, #tpu.memory_space<vmem>>)
      tpu.yield
    }) : () -> ()
    %barrier3A_31 = arith.constant 0 : index
    tpu.barrier barrier_id(%barrier3A_31)
    %add3A_32 = arith.constant 0 : i32
    %add3A_33 = arith.addi %add3A, %add3A_32 : i32
    %mul3A_34 = arith.constant 80 : i32
    %mul3A_35 = arith.muli %add3A_33, %mul3A_34 : i32
    %dma_start3A = tpu.memref_slice %arg5[%mul3A_35] : memref<160000xi32, #tpu.memory_space<hbm>> -> memref<80xi32, #tpu.memory_space<hbm>>
    %dma_start3A_36 = tpu.memref_slice %arg5[%mul3A_35] : memref<160000xi32, #tpu.memory_space<hbm>> -> memref<80xi32, #tpu.memory_space<hbm>>
    tpu.enqueue_dma source(%dma_start3A_36 : memref<80xi32, #tpu.memory_space<hbm>>) target(%arg15 : memref<80xi32, #tpu.memory_space<vmem>>) target_semaphore(%arg21 : memref<!tpu.dma_semaphore, #tpu.memory_space<semaphore_mem>>)
    %add3A_37 = arith.constant 32 : i32
    %add3A_38 = arith.addi %add3A, %add3A_37 : i32
    %mul3A_39 = arith.constant 80 : i32
    %mul3A_40 = arith.muli %add3A_38, %mul3A_39 : i32
    %dma_start3A_41 = tpu.memref_slice %arg5[%mul3A_40] : memref<160000xi32, #tpu.memory_space<hbm>> -> memref<80xi32, #tpu.memory_space<hbm>>
    %dma_start3A_42 = tpu.memref_slice %arg5[%mul3A_40] : memref<160000xi32, #tpu.memory_space<hbm>> -> memref<80xi32, #tpu.memory_space<hbm>>
    tpu.enqueue_dma source(%dma_start3A_42 : memref<80xi32, #tpu.memory_space<hbm>>) target(%arg16 : memref<80xi32, #tpu.memory_space<vmem>>) target_semaphore(%arg22 : memref<!tpu.dma_semaphore, #tpu.memory_space<semaphore_mem>>)
    %dma_wait3A = arith.constant 0 : i32
    %dma_wait3A_43 = tpu.memref_slice %arg5[%dma_wait3A] : memref<160000xi32, #tpu.memory_space<hbm>> -> memref<80xi32, #tpu.memory_space<hbm>>
    %dma_wait3A_44 = arith.constant 0 : i32
    %dma_wait3A_45 = tpu.memref_slice %arg5[%dma_wait3A_44] : memref<160000xi32, #tpu.memory_space<hbm>> -> memref<80xi32, #tpu.memory_space<hbm>>
    tpu.wait_dma2 semaphore(%arg21 : memref<!tpu.dma_semaphore, #tpu.memory_space<semaphore_mem>>) src(%dma_wait3A_45 : memref<80xi32, #tpu.memory_space<hbm>>) dst(%arg15 : memref<80xi32, #tpu.memory_space<vmem>>)
    %dma_start3A_46 = arith.constant 0 : i32
    %dma_start3A_47 = arith.constant 0 : i32
    %dma_start3A_48 = tpu.memref_slice %arg12[%dma_start3A_46, %dma_start3A_47] : memref<10240x128xf32, #tpu.memory_space<vmem_shared>> -> memref<10240x128xf32, #tpu.memory_space<vmem_shared>>
    tpu.enqueue_indirect_dma source(%arg18 : memref<80x128xf32, #tpu.memory_space<vmem>>) target(%dma_start3A_48 : memref<10240x128xf32, #tpu.memory_space<vmem_shared>>) offsets(%arg15 : memref<80xi32, #tpu.memory_space<vmem>>) semaphore(%arg25 : memref<!tpu.dma_semaphore, #tpu.memory_space<semaphore_mem>>) {add = true}
    %scan3A_49 = arith.constant 0 : i32
    %scan3A_50 = arith.constant 31 : i32
    %scan3A_51 = arith.addi %scan3A_49, %scan3A_50 : i32
    %scan3A_52 = arith.constant 1 : i32
    scf.for %scan3A_71 = %scan3A_49 to %scan3A_51 step %scan3A_52  : i32 {
      %mul3A_72 = arith.constant 1 : i32
      %mul3A_73 = arith.muli %scan3A_71, %mul3A_72 : i32
      %add3A_74 = arith.constant 0 : i32
      %add3A_75 = arith.addi %add3A_74, %mul3A_73 : i32
      %mul3A_76 = arith.constant 2 : i32
      %mul3A_77 = arith.muli %mul3A_76, %add3A_75 : i32
      %add3A_78 = arith.constant 1 : i32
      %add3A_79 = arith.addi %add3A_78, %mul3A_77 : i32
      %dma_wait3A_80 = arith.constant 0 : i32
      %dma_wait3A_81 = arith.constant 0 : i32
      %dma_wait3A_82 = tpu.memref_slice %arg12[%dma_wait3A_80, %dma_wait3A_81] : memref<10240x128xf32, #tpu.memory_space<vmem_shared>> -> memref<10240x128xf32, #tpu.memory_space<vmem_shared>>
      tpu.wait_indirect_dma semaphore(%arg25 : memref<!tpu.dma_semaphore, #tpu.memory_space<semaphore_mem>>) src(%arg18 : memref<80x128xf32, #tpu.memory_space<vmem>>) dst(%dma_wait3A_82 : memref<10240x128xf32, #tpu.memory_space<vmem_shared>>)
      %add3A_83 = arith.constant 1 : i32
      %add3A_84 = arith.addi %add3A_79, %add3A_83 : i32
      %mul3A_85 = arith.constant 32 : i32
      %mul3A_86 = arith.muli %mul3A_85, %add3A_84 : i32
      %add3A_87 = arith.addi %add3A, %mul3A_86 : i32
      %lt3A_88 = arith.constant 2000 : i32
      %lt3A_89 = arith.cmpi slt, %add3A_87, %lt3A_88 : i32
      %convert_element_type3A_90 = arith.extui %lt3A_89 : i1 to i32
      %cond3A_91 = arith.constant 0 : i32
      %cond3A_92 = arith.cmpi ne, %convert_element_type3A_90, %cond3A_91 : i32
      scf.if %cond3A_92 {
        %add3A_123 = arith.constant 1 : i32
        %add3A_124 = arith.addi %add3A_79, %add3A_123 : i32
        %mul3A_125 = arith.constant 32 : i32
        %mul3A_126 = arith.muli %mul3A_125, %add3A_124 : i32
        %add3A_127 = arith.addi %add3A, %mul3A_126 : i32
        %mul3A_128 = arith.constant 80 : i32
        %mul3A_129 = arith.muli %add3A_127, %mul3A_128 : i32
        %dma_start3A_130 = tpu.memref_slice %arg5[%mul3A_129] : memref<160000xi32, #tpu.memory_space<hbm>> -> memref<80xi32, #tpu.memory_space<hbm>>
        %dma_start3A_131 = tpu.memref_slice %arg5[%mul3A_129] : memref<160000xi32, #tpu.memory_space<hbm>> -> memref<80xi32, #tpu.memory_space<hbm>>
        tpu.enqueue_dma source(%dma_start3A_131 : memref<80xi32, #tpu.memory_space<hbm>>) target(%arg15 : memref<80xi32, #tpu.memory_space<vmem>>) target_semaphore(%arg21 : memref<!tpu.dma_semaphore, #tpu.memory_space<semaphore_mem>>)
      } else {
      }
      %dma_wait3A_93 = arith.constant 0 : i32
      %dma_wait3A_94 = tpu.memref_slice %arg5[%dma_wait3A_93] : memref<160000xi32, #tpu.memory_space<hbm>> -> memref<80xi32, #tpu.memory_space<hbm>>
      %dma_wait3A_95 = arith.constant 0 : i32
      %dma_wait3A_96 = tpu.memref_slice %arg5[%dma_wait3A_95] : memref<160000xi32, #tpu.memory_space<hbm>> -> memref<80xi32, #tpu.memory_space<hbm>>
      tpu.wait_dma2 semaphore(%arg22 : memref<!tpu.dma_semaphore, #tpu.memory_space<semaphore_mem>>) src(%dma_wait3A_96 : memref<80xi32, #tpu.memory_space<hbm>>) dst(%arg16 : memref<80xi32, #tpu.memory_space<vmem>>)
      %dma_start3A_97 = arith.constant 0 : i32
      %dma_start3A_98 = arith.constant 0 : i32
      %dma_start3A_99 = tpu.memref_slice %arg12[%dma_start3A_97, %dma_start3A_98] : memref<10240x128xf32, #tpu.memory_space<vmem_shared>> -> memref<10240x128xf32, #tpu.memory_space<vmem_shared>>
      tpu.enqueue_indirect_dma source(%arg18 : memref<80x128xf32, #tpu.memory_space<vmem>>) target(%dma_start3A_99 : memref<10240x128xf32, #tpu.memory_space<vmem_shared>>) offsets(%arg16 : memref<80xi32, #tpu.memory_space<vmem>>) semaphore(%arg26 : memref<!tpu.dma_semaphore, #tpu.memory_space<semaphore_mem>>) {add = true}
      %dma_wait3A_100 = arith.constant 0 : i32
      %dma_wait3A_101 = arith.constant 0 : i32
      %dma_wait3A_102 = tpu.memref_slice %arg12[%dma_wait3A_100, %dma_wait3A_101] : memref<10240x128xf32, #tpu.memory_space<vmem_shared>> -> memref<10240x128xf32, #tpu.memory_space<vmem_shared>>
      tpu.wait_indirect_dma semaphore(%arg26 : memref<!tpu.dma_semaphore, #tpu.memory_space<semaphore_mem>>) src(%arg18 : memref<80x128xf32, #tpu.memory_space<vmem>>) dst(%dma_wait3A_102 : memref<10240x128xf32, #tpu.memory_space<vmem_shared>>)
      %add3A_103 = arith.constant 2 : i32
      %add3A_104 = arith.addi %add3A_79, %add3A_103 : i32
      %mul3A_105 = arith.constant 32 : i32
      %mul3A_106 = arith.muli %mul3A_105, %add3A_104 : i32
      %add3A_107 = arith.addi %add3A, %mul3A_106 : i32
      %lt3A_108 = arith.constant 2000 : i32
      %lt3A_109 = arith.cmpi slt, %add3A_107, %lt3A_108 : i32
      %convert_element_type3A_110 = arith.extui %lt3A_109 : i1 to i32
      %cond3A_111 = arith.constant 0 : i32
      %cond3A_112 = arith.cmpi ne, %convert_element_type3A_110, %cond3A_111 : i32
      scf.if %cond3A_112 {
        %add3A_123 = arith.constant 2 : i32
        %add3A_124 = arith.addi %add3A_79, %add3A_123 : i32
        %mul3A_125 = arith.constant 32 : i32
        %mul3A_126 = arith.muli %mul3A_125, %add3A_124 : i32
        %add3A_127 = arith.addi %add3A, %mul3A_126 : i32
        %mul3A_128 = arith.constant 80 : i32
        %mul3A_129 = arith.muli %add3A_127, %mul3A_128 : i32
        %dma_start3A_130 = tpu.memref_slice %arg5[%mul3A_129] : memref<160000xi32, #tpu.memory_space<hbm>> -> memref<80xi32, #tpu.memory_space<hbm>>
        %dma_start3A_131 = tpu.memref_slice %arg5[%mul3A_129] : memref<160000xi32, #tpu.memory_space<hbm>> -> memref<80xi32, #tpu.memory_space<hbm>>
        tpu.enqueue_dma source(%dma_start3A_131 : memref<80xi32, #tpu.memory_space<hbm>>) target(%arg16 : memref<80xi32, #tpu.memory_space<vmem>>) target_semaphore(%arg22 : memref<!tpu.dma_semaphore, #tpu.memory_space<semaphore_mem>>)
      } else {
      }
      %add3A_113 = arith.constant 1 : i32
      %add3A_114 = arith.addi %add3A_79, %add3A_113 : i32
      %mul3A_115 = arith.constant 32 : i32
      %mul3A_116 = arith.muli %mul3A_115, %add3A_114 : i32
      %add3A_117 = arith.addi %add3A, %mul3A_116 : i32
      %lt3A_118 = arith.constant 2000 : i32
      %lt3A_119 = arith.cmpi slt, %add3A_117, %lt3A_118 : i32
      %convert_element_type3A_120 = arith.extui %lt3A_119 : i1 to i32
      %cond3A_121 = arith.constant 0 : i32
      %cond3A_122 = arith.cmpi ne, %convert_element_type3A_120, %cond3A_121 : i32
      scf.if %cond3A_122 {
        %dma_wait3A_123 = arith.constant 0 : i32
        %dma_wait3A_124 = tpu.memref_slice %arg5[%dma_wait3A_123] : memref<160000xi32, #tpu.memory_space<hbm>> -> memref<80xi32, #tpu.memory_space<hbm>>
        %dma_wait3A_125 = arith.constant 0 : i32
        %dma_wait3A_126 = tpu.memref_slice %arg5[%dma_wait3A_125] : memref<160000xi32, #tpu.memory_space<hbm>> -> memref<80xi32, #tpu.memory_space<hbm>>
        tpu.wait_dma2 semaphore(%arg21 : memref<!tpu.dma_semaphore, #tpu.memory_space<semaphore_mem>>) src(%dma_wait3A_126 : memref<80xi32, #tpu.memory_space<hbm>>) dst(%arg15 : memref<80xi32, #tpu.memory_space<vmem>>)
        %dma_start3A_127 = arith.constant 0 : i32
        %dma_start3A_128 = arith.constant 0 : i32
        %dma_start3A_129 = tpu.memref_slice %arg12[%dma_start3A_127, %dma_start3A_128] : memref<10240x128xf32, #tpu.memory_space<vmem_shared>> -> memref<10240x128xf32, #tpu.memory_space<vmem_shared>>
        tpu.enqueue_indirect_dma source(%arg18 : memref<80x128xf32, #tpu.memory_space<vmem>>) target(%dma_start3A_129 : memref<10240x128xf32, #tpu.memory_space<vmem_shared>>) offsets(%arg15 : memref<80xi32, #tpu.memory_space<vmem>>) semaphore(%arg25 : memref<!tpu.dma_semaphore, #tpu.memory_space<semaphore_mem>>) {add = true}
      } else {
      }
    }
    %scan3A_53 = arith.constant 31 : i32
    %add3A_54 = arith.constant 1984 : i32
    %add3A_55 = arith.addi %add3A, %add3A_54 : i32
    %lt3A = arith.constant 2000 : i32
    %lt3A_56 = arith.cmpi slt, %add3A_55, %lt3A : i32
    %convert_element_type3A_57 = arith.extui %lt3A_56 : i1 to i32
    %cond3A_58 = arith.constant 0 : i32
    %cond3A_59 = arith.cmpi ne, %convert_element_type3A_57, %cond3A_58 : i32
    scf.if %cond3A_59 {
      %dma_wait3A_71 = arith.constant 0 : i32
      %dma_wait3A_72 = arith.constant 0 : i32
      %dma_wait3A_73 = tpu.memref_slice %arg12[%dma_wait3A_71, %dma_wait3A_72] : memref<10240x128xf32, #tpu.memory_space<vmem_shared>> -> memref<10240x128xf32, #tpu.memory_space<vmem_shared>>
      tpu.wait_indirect_dma semaphore(%arg25 : memref<!tpu.dma_semaphore, #tpu.memory_space<semaphore_mem>>) src(%arg18 : memref<80x128xf32, #tpu.memory_space<vmem>>) dst(%dma_wait3A_73 : memref<10240x128xf32, #tpu.memory_space<vmem_shared>>)
    } else {
    }
    %barrier3A_60 = arith.constant 0 : index
    tpu.barrier barrier_id(%barrier3A_60)
    %eq3A_61 = arith.constant 0 : i32
    %eq3A_62 = arith.cmpi eq, %arg0, %eq3A_61 : i32
    %convert_element_type3A_63 = arith.extui %eq3A_62 : i1 to i32
    %cond3A_64 = arith.constant 0 : i32
    %cond3A_65 = arith.cmpi ne, %convert_element_type3A_63, %cond3A_64 : i32
    scf.if %cond3A_65 {
      %scan3A_71 = arith.constant 0 : i32
      %scan3A_72 = arith.constant 8 : i32
      %scan3A_73 = arith.addi %scan3A_71, %scan3A_72 : i32
      %scan3A_74 = arith.constant 1 : i32
      scf.for %scan3A_76 = %scan3A_71 to %scan3A_73 step %scan3A_74  : i32 {
        %mul3A_77 = arith.constant 1 : i32
        %mul3A_78 = arith.muli %scan3A_76, %mul3A_77 : i32
        %add3A_79 = arith.constant 0 : i32
        %add3A_80 = arith.addi %add3A_79, %mul3A_78 : i32
        %mul3A_81 = arith.constant 80 : i32
        %mul3A_82 = arith.muli %add3A_80, %mul3A_81 : i32
        %add3A_83 = arith.addi %mul3A_2, %mul3A_82 : i32
        "tpu.region"() ({
          %run_scoped3A = tpu.sem_alloc : memref<!tpu.dma_semaphore, #tpu.memory_space<semaphore_mem>>
          %dma_start3A_84 = arith.constant 0 : i32
          %dma_start3A_85 = tpu.memref_slice %arg12[%add3A_83, %dma_start3A_84] : memref<10240x128xf32, #tpu.memory_space<vmem_shared>> -> memref<80x128xf32, #tpu.memory_space<vmem_shared>>
          %dma_start3A_86 = arith.constant 0 : i32
          %dma_start3A_87 = tpu.memref_slice %arg12[%add3A_83, %dma_start3A_86] : memref<10240x128xf32, #tpu.memory_space<vmem_shared>> -> memref<80x128xf32, #tpu.memory_space<vmem_shared>>
          tpu.enqueue_dma source(%dma_start3A_87 : memref<80x128xf32, #tpu.memory_space<vmem_shared>>) target(%arg17 : memref<80x128xf32, #tpu.memory_space<vmem>>) target_semaphore(%run_scoped3A : memref<!tpu.dma_semaphore, #tpu.memory_space<semaphore_mem>>)
          %dma_wait3A_88 = arith.constant 0 : i32
          %dma_wait3A_89 = tpu.memref_slice %arg12[%add3A_83, %dma_wait3A_88] : memref<10240x128xf32, #tpu.memory_space<vmem_shared>> -> memref<80x128xf32, #tpu.memory_space<vmem_shared>>
          %dma_wait3A_90 = arith.constant 0 : i32
          %dma_wait3A_91 = tpu.memref_slice %arg12[%add3A_83, %dma_wait3A_90] : memref<10240x128xf32, #tpu.memory_space<vmem_shared>> -> memref<80x128xf32, #tpu.memory_space<vmem_shared>>
          tpu.wait_dma2 semaphore(%run_scoped3A : memref<!tpu.dma_semaphore, #tpu.memory_space<semaphore_mem>>) src(%dma_wait3A_91 : memref<80x128xf32, #tpu.memory_space<vmem_shared>>) dst(%arg17 : memref<80x128xf32, #tpu.memory_space<vmem>>)
          tpu.yield
        }) : () -> ()
        "tpu.region"() ({
          %run_scoped3A = tpu.sem_alloc : memref<!tpu.dma_semaphore, #tpu.memory_space<semaphore_mem>>
          %dma_start3A_84 = arith.constant 0 : i32
          %dma_start3A_85 = tpu.memref_slice %arg10[%add3A_83, %dma_start3A_84] : memref<10240x128xf32, #tpu.memory_space<hbm>> -> memref<80x128xf32, #tpu.memory_space<hbm>>
          %dma_start3A_86 = arith.constant 0 : i32
          %dma_start3A_87 = tpu.memref_slice %arg10[%add3A_83, %dma_start3A_86] : memref<10240x128xf32, #tpu.memory_space<hbm>> -> memref<80x128xf32, #tpu.memory_space<hbm>>
          tpu.enqueue_dma source(%arg17 : memref<80x128xf32, #tpu.memory_space<vmem>>) target(%dma_start3A_87 : memref<80x128xf32, #tpu.memory_space<hbm>>) target_semaphore(%run_scoped3A : memref<!tpu.dma_semaphore, #tpu.memory_space<semaphore_mem>>)
          %dma_wait3A_88 = arith.constant 0 : i32
          %dma_wait3A_89 = tpu.memref_slice %arg10[%add3A_83, %dma_wait3A_88] : memref<10240x128xf32, #tpu.memory_space<hbm>> -> memref<80x128xf32, #tpu.memory_space<hbm>>
          %dma_wait3A_90 = arith.constant 0 : i32
          %dma_wait3A_91 = tpu.memref_slice %arg10[%add3A_83, %dma_wait3A_90] : memref<10240x128xf32, #tpu.memory_space<hbm>> -> memref<80x128xf32, #tpu.memory_space<hbm>>
          tpu.wait_dma2 semaphore(%run_scoped3A : memref<!tpu.dma_semaphore, #tpu.memory_space<semaphore_mem>>) src(%arg17 : memref<80x128xf32, #tpu.memory_space<vmem>>) dst(%dma_wait3A_91 : memref<80x128xf32, #tpu.memory_space<hbm>>)
          tpu.yield
        }) : () -> ()
      }
      %scan3A_75 = arith.constant 8 : i32
    } else {
    }
    %eq3A_66 = arith.constant 1 : i32
    %eq3A_67 = arith.cmpi eq, %arg0, %eq3A_66 : i32
    %convert_element_type3A_68 = arith.extui %eq3A_67 : i1 to i32
    %cond3A_69 = arith.constant 0 : i32
    %cond3A_70 = arith.cmpi ne, %convert_element_type3A_68, %cond3A_69 : i32
    scf.if %cond3A_70 {
      %scan3A_71 = arith.constant 0 : i32
      %scan3A_72 = arith.constant 8 : i32
      %scan3A_73 = arith.addi %scan3A_71, %scan3A_72 : i32
      %scan3A_74 = arith.constant 1 : i32
      scf.for %scan3A_76 = %scan3A_71 to %scan3A_73 step %scan3A_74  : i32 {
        %mul3A_77 = arith.constant 1 : i32
        %mul3A_78 = arith.muli %scan3A_76, %mul3A_77 : i32
        %add3A_79 = arith.constant 0 : i32
        %add3A_80 = arith.addi %add3A_79, %mul3A_78 : i32
        %mul3A_81 = arith.constant 80 : i32
        %mul3A_82 = arith.muli %add3A_80, %mul3A_81 : i32
        %add3A_83 = arith.addi %mul3A_2, %mul3A_82 : i32
        "tpu.region"() ({
          %run_scoped3A = tpu.sem_alloc : memref<!tpu.dma_semaphore, #tpu.memory_space<semaphore_mem>>
          %dma_start3A_84 = arith.constant 0 : i32
          %dma_start3A_85 = tpu.memref_slice %arg12[%add3A_83, %dma_start3A_84] : memref<10240x128xf32, #tpu.memory_space<vmem_shared>> -> memref<80x128xf32, #tpu.memory_space<vmem_shared>>
          %dma_start3A_86 = arith.constant 0 : i32
          %dma_start3A_87 = tpu.memref_slice %arg12[%add3A_83, %dma_start3A_86] : memref<10240x128xf32, #tpu.memory_space<vmem_shared>> -> memref<80x128xf32, #tpu.memory_space<vmem_shared>>
          tpu.enqueue_dma source(%dma_start3A_87 : memref<80x128xf32, #tpu.memory_space<vmem_shared>>) target(%arg17 : memref<80x128xf32, #tpu.memory_space<vmem>>) target_semaphore(%run_scoped3A : memref<!tpu.dma_semaphore, #tpu.memory_space<semaphore_mem>>)
          %dma_wait3A_88 = arith.constant 0 : i32
          %dma_wait3A_89 = tpu.memref_slice %arg12[%add3A_83, %dma_wait3A_88] : memref<10240x128xf32, #tpu.memory_space<vmem_shared>> -> memref<80x128xf32, #tpu.memory_space<vmem_shared>>
          %dma_wait3A_90 = arith.constant 0 : i32
          %dma_wait3A_91 = tpu.memref_slice %arg12[%add3A_83, %dma_wait3A_90] : memref<10240x128xf32, #tpu.memory_space<vmem_shared>> -> memref<80x128xf32, #tpu.memory_space<vmem_shared>>
          tpu.wait_dma2 semaphore(%run_scoped3A : memref<!tpu.dma_semaphore, #tpu.memory_space<semaphore_mem>>) src(%dma_wait3A_91 : memref<80x128xf32, #tpu.memory_space<vmem_shared>>) dst(%arg17 : memref<80x128xf32, #tpu.memory_space<vmem>>)
          tpu.yield
        }) : () -> ()
        "tpu.region"() ({
          %run_scoped3A = tpu.sem_alloc : memref<!tpu.dma_semaphore, #tpu.memory_space<semaphore_mem>>
          %dma_start3A_84 = arith.constant 0 : i32
          %dma_start3A_85 = tpu.memref_slice %arg11[%add3A_83, %dma_start3A_84] : memref<10240x128xf32, #tpu.memory_space<hbm>> -> memref<80x128xf32, #tpu.memory_space<hbm>>
          %dma_start3A_86 = arith.constant 0 : i32
          %dma_start3A_87 = tpu.memref_slice %arg11[%add3A_83, %dma_start3A_86] : memref<10240x128xf32, #tpu.memory_space<hbm>> -> memref<80x128xf32, #tpu.memory_space<hbm>>
          tpu.enqueue_dma source(%arg17 : memref<80x128xf32, #tpu.memory_space<vmem>>) target(%dma_start3A_87 : memref<80x128xf32, #tpu.memory_space<hbm>>) target_semaphore(%run_scoped3A : memref<!tpu.dma_semaphore, #tpu.memory_space<semaphore_mem>>)
          %dma_wait3A_88 = arith.constant 0 : i32
          %dma_wait3A_89 = tpu.memref_slice %arg11[%add3A_83, %dma_wait3A_88] : memref<10240x128xf32, #tpu.memory_space<hbm>> -> memref<80x128xf32, #tpu.memory_space<hbm>>
          %dma_wait3A_90 = arith.constant 0 : i32
          %dma_wait3A_91 = tpu.memref_slice %arg11[%add3A_83, %dma_wait3A_90] : memref<10240x128xf32, #tpu.memory_space<hbm>> -> memref<80x128xf32, #tpu.memory_space<hbm>>
          tpu.wait_dma2 semaphore(%run_scoped3A : memref<!tpu.dma_semaphore, #tpu.memory_space<semaphore_mem>>) src(%arg17 : memref<80x128xf32, #tpu.memory_space<vmem>>) dst(%dma_wait3A_91 : memref<80x128xf32, #tpu.memory_space<hbm>>)
          tpu.yield
        }) : () -> ()
      }
      %scan3A_75 = arith.constant 8 : i32
    } else {
    }
    return
  }
}

module attributes {stable_mosaic.version = 14 : i64} {
  func.func @body(%arg0: i32, %arg1: memref<400x256xf32, #tpu.memory_space<vmem>>, %arg2: memref<400x128xf32, #tpu.memory_space<vmem>>, %arg3: memref<400x128xf32, #tpu.memory_space<vmem>>, %arg4: memref<400x128xf32, #tpu.memory_space<vmem>>, %arg5: memref<400x128xf32, #tpu.memory_space<vmem>>, %arg6: memref<256x256xf32, #tpu.memory_space<vmem>>, %arg7: memref<400x256xf32, #tpu.memory_space<vmem>>) attributes {dimension_semantics = [#tpu.dimension_semantics<arbitrary>], iteration_bounds = array<i64: 25>, scalar_prefetch = 0 : i64, scratch_operands = 0 : i64, tpu.core_type = #tpu.core_type<tc>, window_params = [{transform_indices = @transform_0, window_bounds = array<i64: 400, 256>}, {transform_indices = @transform_1, window_bounds = array<i64: 400, 128>}, {transform_indices = @transform_2, window_bounds = array<i64: 400, 128>}, {transform_indices = @transform_3, window_bounds = array<i64: 400, 128>}, {transform_indices = @transform_4, window_bounds = array<i64: 400, 128>}, {pipeline_mode = #tpu.pipeline_mode<synchronous>, transform_indices = @transform_5, window_bounds = array<i64: 256, 256>}, {transform_indices = @transform_6, window_bounds = array<i64: 400, 256>}]} {
    %get3A = arith.constant 0 : index
    %get3A_0 = arith.constant 0 : index
    %get3A_1 = vector.load %arg2[%get3A, %get3A_0] : memref<400x128xf32, #tpu.memory_space<vmem>>, vector<400x128xf32>
    %get3A_2 = arith.constant 0 : index
    %get3A_3 = arith.constant 0 : index
    %get3A_4 = vector.load %arg3[%get3A_2, %get3A_3] : memref<400x128xf32, #tpu.memory_space<vmem>>, vector<400x128xf32>
    %concatenate3A = tpu.concatenate %get3A_1, %get3A_4 in 1 : vector<400x128xf32>, vector<400x128xf32> -> vector<400x256xf32>
    %get3A_5 = arith.constant 0 : index
    %get3A_6 = arith.constant 0 : index
    %get3A_7 = vector.load %arg4[%get3A_5, %get3A_6] : memref<400x128xf32, #tpu.memory_space<vmem>>, vector<400x128xf32>
    %slice3A = vector.extract_strided_slice %get3A_7 {offsets = [0, 0], sizes = [400, 1], strides = [1, 1]} : vector<400x128xf32> to vector<400x1xf32>
    %get3A_8 = arith.constant 0 : index
    %get3A_9 = arith.constant 0 : index
    %get3A_10 = vector.load %arg5[%get3A_8, %get3A_9] : memref<400x128xf32, #tpu.memory_space<vmem>>, vector<400x128xf32>
    %slice3A_11 = vector.extract_strided_slice %get3A_10 {offsets = [0, 0], sizes = [400, 1], strides = [1, 1]} : vector<400x128xf32> to vector<400x1xf32>
    %add3A = arith.addf %slice3A, %slice3A_11 : vector<400x1xf32>
    %max3A = arith.constant 1.000000e+00 : f32
    %max3A_12 = vector.broadcast %max3A : f32 to vector<400x1xf32>
    %max3A_13 = arith.maximumf %add3A, %max3A_12 : vector<400x1xf32>
    %div3A = vector.broadcast %max3A_13 : vector<400x1xf32> to vector<400x256xf32>
    %div3A_14 = arith.divf %concatenate3A, %div3A : vector<400x256xf32>
    %get3A_15 = arith.constant 0 : index
    %get3A_16 = arith.constant 0 : index
    %get3A_17 = vector.load %arg1[%get3A_15, %get3A_16] : memref<400x256xf32, #tpu.memory_space<vmem>>, vector<400x256xf32>
    %get3A_18 = arith.constant 0 : index
    %get3A_19 = arith.constant 0 : index
    %get3A_20 = vector.load %arg6[%get3A_18, %get3A_19] : memref<256x256xf32, #tpu.memory_space<vmem>>, vector<256x256xf32>
    %dot_general3A = arith.constant dense<0.000000e+00> : vector<400x256xf32>
    %dot_general3A_21 = tpu.matmul %div3A_14, %get3A_20, %dot_general3A {dimension_numbers = #tpu.dot_dimension_numbers<[1], [1], [0], [0], [0, 0, 1, 0], [], []>, transpose_lhs_hint = false} : vector<400x256xf32>, vector<256x256xf32>, vector<400x256xf32> -> vector<400x256xf32>
    %add3A_22 = arith.addf %get3A_17, %dot_general3A_21 : vector<400x256xf32>
    %swap3A = arith.constant 0 : index
    %swap3A_23 = arith.constant 0 : index
    %swap3A_24 = vector.load %arg7[%swap3A, %swap3A_23] : memref<400x256xf32, #tpu.memory_space<vmem>>, vector<400x256xf32>
    tpu.vector_store %arg7[%swap3A, %swap3A_23], %add3A_22 {strides = array<i32>} : memref<400x256xf32, #tpu.memory_space<vmem>>, vector<400x256xf32>,
    return
  }
  func.func @transform_0(%arg0: i32) -> (i32, i32) {
    %c0_i32 = arith.constant 0 : i32
    %c0_i32_0 = arith.constant 0 : i32
    return %arg0, %c0_i32 : i32, i32
  }
  func.func @transform_1(%arg0: i32) -> (i32, i32) {
    %c0_i32 = arith.constant 0 : i32
    %c0_i32_0 = arith.constant 0 : i32
    return %arg0, %c0_i32 : i32, i32
  }
  func.func @transform_2(%arg0: i32) -> (i32, i32) {
    %c0_i32 = arith.constant 0 : i32
    %c0_i32_0 = arith.constant 0 : i32
    return %arg0, %c0_i32 : i32, i32
  }
  func.func @transform_3(%arg0: i32) -> (i32, i32) {
    %c0_i32 = arith.constant 0 : i32
    %c0_i32_0 = arith.constant 0 : i32
    return %arg0, %c0_i32 : i32, i32
  }
  func.func @transform_4(%arg0: i32) -> (i32, i32) {
    %c0_i32 = arith.constant 0 : i32
    %c0_i32_0 = arith.constant 0 : i32
    return %arg0, %c0_i32 : i32, i32
  }
  func.func @transform_5(%arg0: i32) -> (i32, i32) {
    %c0_i32 = arith.constant 0 : i32
    %c0_i32_0 = arith.constant 0 : i32
    %c0_i32_1 = arith.constant 0 : i32
    return %c0_i32, %c0_i32_0 : i32, i32
  }
  func.func @transform_6(%arg0: i32) -> (i32, i32) {
    %c0_i32 = arith.constant 0 : i32
    %c0_i32_0 = arith.constant 0 : i32
    return %arg0, %c0_i32 : i32, i32
  }
}

module attributes {stable_mosaic.version = 14 : i64} {
  func.func @body(%arg0: i32, %arg1: memref<400x256xf32, #tpu.memory_space<vmem>>, %arg2: memref<256x256xf32, #tpu.memory_space<vmem>>, %arg3: memref<1x256xf32, #tpu.memory_space<vmem>>, %arg4: memref<400x256xf32, #tpu.memory_space<vmem>>) attributes {dimension_semantics = [#tpu.dimension_semantics<arbitrary>], iteration_bounds = array<i64: 25>, scalar_prefetch = 0 : i64, scratch_operands = 0 : i64, tpu.core_type = #tpu.core_type<tc>, window_params = [{transform_indices = @transform_0, window_bounds = array<i64: 400, 256>}, {pipeline_mode = #tpu.pipeline_mode<synchronous>, transform_indices = @transform_1, window_bounds = array<i64: 256, 256>}, {pipeline_mode = #tpu.pipeline_mode<synchronous>, transform_indices = @transform_2, window_bounds = array<i64: 1, 256>}, {transform_indices = @transform_3, window_bounds = array<i64: 400, 256>}]} {
    %get3A = arith.constant 0 : index
    %get3A_0 = arith.constant 0 : index
    %get3A_1 = vector.load %arg1[%get3A, %get3A_0] : memref<400x256xf32, #tpu.memory_space<vmem>>, vector<400x256xf32>
    %get3A_2 = arith.constant 0 : index
    %get3A_3 = arith.constant 0 : index
    %get3A_4 = vector.load %arg2[%get3A_2, %get3A_3] : memref<256x256xf32, #tpu.memory_space<vmem>>, vector<256x256xf32>
    %dot_general3A = arith.constant dense<0.000000e+00> : vector<400x256xf32>
    %dot_general3A_5 = tpu.matmul %get3A_1, %get3A_4, %dot_general3A {dimension_numbers = #tpu.dot_dimension_numbers<[1], [1], [0], [0], [0, 0, 1, 0], [], []>, transpose_lhs_hint = false} : vector<400x256xf32>, vector<256x256xf32>, vector<400x256xf32> -> vector<400x256xf32>
    %get3A_6 = arith.constant 0 : index
    %get3A_7 = arith.constant 0 : index
    %get3A_8 = vector.load %arg3[%get3A_6, %get3A_7] : memref<1x256xf32, #tpu.memory_space<vmem>>, vector<1x256xf32>
    %add3A = vector.broadcast %get3A_8 : vector<1x256xf32> to vector<400x256xf32>
    %add3A_9 = arith.addf %dot_general3A_5, %add3A : vector<400x256xf32>
    %swap3A = arith.constant 0 : index
    %swap3A_10 = arith.constant 0 : index
    %swap3A_11 = vector.load %arg4[%swap3A, %swap3A_10] : memref<400x256xf32, #tpu.memory_space<vmem>>, vector<400x256xf32>
    tpu.vector_store %arg4[%swap3A, %swap3A_10], %add3A_9 {strides = array<i32>} : memref<400x256xf32, #tpu.memory_space<vmem>>, vector<400x256xf32>,
    return
  }
  func.func @transform_0(%arg0: i32) -> (i32, i32) {
    %c0_i32 = arith.constant 0 : i32
    %c0_i32_0 = arith.constant 0 : i32
    return %arg0, %c0_i32 : i32, i32
  }
  func.func @transform_1(%arg0: i32) -> (i32, i32) {
    %c0_i32 = arith.constant 0 : i32
    %c0_i32_0 = arith.constant 0 : i32
    %c0_i32_1 = arith.constant 0 : i32
    return %c0_i32, %c0_i32_0 : i32, i32
  }
  func.func @transform_2(%arg0: i32) -> (i32, i32) {
    %c0_i32 = arith.constant 0 : i32
    %c0_i32_0 = arith.constant 0 : i32
    %c0_i32_1 = arith.constant 0 : i32
    return %c0_i32, %c0_i32_0 : i32, i32
  }
  func.func @transform_3(%arg0: i32) -> (i32, i32) {
    %c0_i32 = arith.constant 0 : i32
    %c0_i32_0 = arith.constant 0 : i32
    return %arg0, %c0_i32 : i32, i32
  }
}

</mosaic_0001>

<sc_bundles>
// kernel: kernel.5.cloned.1.call-start
scs
__scs_entry_jumppad:
0x0: {  	(pc) =	sbr.rel $0x88, $3  }
0x1: {  	(tag) =	ssettag $0x0;
	lr =	simm.s32 $0x1  }
0x2: {  	[smem:$0x3F9C] =	sst lr;
	_ =	strace $0xD0000000  }
0x3: {  	_ = 	snop  }
0x4: {  	_ = 	snop  }
0x5: {  	_ = 	snop  }
0x6: {  	_ = 	snop  }
0x7: {  	_ = 	snop  }
__scs_overlays_trampoline_lowered:
0x8: {  	[smem:$0x3FAB] =	sst s0  }
0x9: {  	[smem:$0x3FAC] =	sst s1  }
0xa: {  	[smem:$0x3FAD] =	sst s2  }
0xb: {  	[smem:$0x3FAE] =	sst s3  }
0xc: {  	[smem:$0x3FAF] =	sst s4  }
0xd: {  	[smem:$0x3FB0] =	sst s5  }
0xe: {  	[smem:$0x3FB1] =	sst s6  }
0xf: {  	[smem:$0x3FB2] =	sst s7  }
0x10: {  	[smem:$0x3FB3] =	sst s8  }
0x11: {  	[smem:$0x3FB4] =	sst s9;
	s0 =	simm.s32 @!p0 $0x0  }
0x12: {  	s1 =	sld [smem:$0x3F9A];
	s0 =	simm.s32 @p0 $0x1  }
0x13: {  	[smem:$0x3FB5] =	sst s0;
	s0 =	simm.s32 @!p1 $0x0  }
0x14: {  	s2 =	sld [smem:$0x3F99];
	s0 =	simm.s32 @p1 $0x1  }
0x15: {  	[smem:$0x3FB6] =	sst s0;
	s0 =	simm.s32 @!p2 $0x0  }
0x16: {  	s3 =	sld [smem:$0x3FDB];
	s0 =	simm.s32 @p2 $0x1  }
0x17: {  	s4 =	simm.s32 $0x1BF5;
	[smem:$0x3FB8] =	sst s0  }
0x18: {  	s0 =	sld [smem:$0x3F9B];
	_ =	swait.ge [sflag:s4], $0x0  }
0x19: {  	s7 =	sld [smem:$0x3F9C]  }
0x1a: {  	s8 =	sadd.s32 $0xFFFFE003, lr  }
0x1b: {  	s9 =	sadd.s32 $0xFFFFFEF7, lr;
	s5 =	simm.s32 $0xFFFFFFFF;
	p2 =	slt.u32 s8, $0xFFFFF086  }
0x1c: {  	p1 =	slt.u32 s9, $0xF7A;
	s5 =	simm.s32 @!p2 $0x0  }
0x1d: {  	s5 =	simm.s32 @p1 $0x1;
	p0 =	seq.s32 s7, s2  }
0x1e: {  	s7 =	smul.u32 @!p0 $0xF7A, s2;
	p2 =	seq.s32 @!p0 s5, $0x0  }
0x1f: {  	s9 =	smul.u32 $0xF7A, s1;
	s8 =	simm.s32 @!p0 $0x1BF5;
	p2 =	por !p2, p0  }
0x20: {  	[sflag:s8] =	ssyncset.s32 @!p0 $0xFFFFF086;
	s6 =	sadd.s32 @!p0 s3, s7;
	s7 =	simm.s32 @!p0 $0x108  }
0x21: {  	s3 =	sadd.s32 s3, s9;
	s6 =	sadd.s32 @!p0 $0x88, s6;
	s7 =	simm.s32 @p2 $0x1082  }
0x22: {  	[simem:s7], [sflag:s8] =	dma.local @!p0 [hbm:s6], $0xF7A  }
0x23: {  	s9 =	sor.u32 $0xD0000000, s2;
	s6 =	simm.s32 $0x108;
	_ =	swait.ge @!p0 [sflag:s8], $0x0  }
0x24: {  	s3 =	sadd.s32 $0x88, s3;
	s6 =	simm.s32 @!p1 $0x1082;
	[sflag:s4] =	ssyncset.s32 $0xFFFFF086  }
0x25: {  	[simem:s6], [sflag:s4] =	dma.local [hbm:s3], $0xF7A  }
0x26: {  	[smem:$0x3F9C] =	sst s1;
	(tag) =	ssettag s2;
	_ =	strace s9  }
0x27: {  	s1 =	sld [smem:$0x3FAC]  }
0x28: {  	s2 =	sld [smem:$0x3FAD]  }
0x29: {  	s4 =	sld [smem:$0x3FAF]  }
0x2a: {  	p0 =	seq.s32 s5, $0x0;
	s5 =	sld [smem:$0x3FB0]  }
0x2b: {  	s6 =	sld [smem:$0x3FB1]  }
0x2c: {  	s7 =	sld [smem:$0x3FB2]  }
0x2d: {  	s3 =	simm.s32 $0x108;
	s8 =	sld [smem:$0x3FB3]  }
0x2e: {  	s3 =	simm.s32 @!p0 $0x1082;
	s9 =	sld [smem:$0x3FB4]  }
0x2f: {  	lr =	sadd.s32 s0, s3;
	s0 =	sld [smem:$0x3FAB]  }
0x30: {  	s3 =	sld [smem:$0x3FAE]  }
0x31: {  	[smem:$0x3FB7] =	sst s10  }
0x32: {  	s10 =	sld [smem:$0x3FB5];
	_ =	sdelay $0x3  }
0x33: {  	p0 =	seq.s32 s10, $0x1;
	s10 =	sld [smem:$0x3FB7];
	_ =	sdelay $0x3  }
0x34: {  	[smem:$0x3FB7] =	sst s10  }
0x35: {  	s10 =	sld [smem:$0x3FB6];
	_ =	sdelay $0x3  }
0x36: {  	p1 =	seq.s32 s10, $0x1;
	s10 =	sld [smem:$0x3FB7];
	_ =	sdelay $0x3  }
0x37: {  	[smem:$0x3FB7] =	sst s10  }
0x38: {  	s10 =	sld [smem:$0x3FB8]  }
0x39: {  	_ = 	snop;
	(pc) =	sbr.ind lr, $3  }
0x3a: {  	_ = 	snop  }
0x3b: {  	_ = 	snop  }
0x3c: {  	p2 =	seq.s32 s10, $0x1;
	s10 =	sld [smem:$0x3FB7]  }
0x3d: {  	_ =	shalt  }
0x3e: {  	_ =	shalt  }
0x3f: {  	_ =	shalt  }
0x40: {  	_ =	shalt  }
0x41: {  	_ =	shalt  }
0x42: {  	_ =	shalt  }
0x43: {  	_ =	shalt  }
0x44: {  	_ =	shalt  }
0x45: {  	_ =	shalt  }
0x46: {  	_ =	shalt  }
0x47: {  	_ =	shalt  }
0x48: {  	_ =	shalt  }
0x49: {  	_ =	shalt  }
0x4a: {  	_ =	shalt  }
0x4b: {  	_ =	shalt  }
0x4c: {  	_ =	shalt  }
0x4d: {  	_ =	shalt  }
0x4e: {  	_ =	shalt  }
0x4f: {  	_ =	shalt  }
0x50: {  	_ =	shalt  }
0x51: {  	_ =	shalt  }
0x52: {  	_ =	shalt  }
0x53: {  	_ =	shalt  }
0x54: {  	_ =	shalt  }
0x55: {  	_ =	shalt  }
0x56: {  	_ =	shalt  }
0x57: {  	_ =	shalt  }
0x58: {  	_ =	shalt  }
0x59: {  	_ =	shalt  }
0x5a: {  	_ =	shalt  }
0x5b: {  	_ =	shalt  }
0x5c: {  	_ =	shalt  }
0x5d: {  	_ =	shalt  }
0x5e: {  	_ =	shalt  }
0x5f: {  	_ =	shalt  }
0x60: {  	_ =	shalt  }
0x61: {  	_ =	shalt  }
0x62: {  	_ =	shalt  }
0x63: {  	_ =	shalt  }
0x64: {  	_ =	shalt  }
0x65: {  	_ =	shalt  }
0x66: {  	_ =	shalt  }
0x67: {  	_ =	shalt  }
0x68: {  	_ =	shalt  }
0x69: {  	_ =	shalt  }
0x6a: {  	_ =	shalt  }
0x6b: {  	_ =	shalt  }
0x6c: {  	_ =	shalt  }
0x6d: {  	_ =	shalt  }
0x6e: {  	_ =	shalt  }
0x6f: {  	_ =	shalt  }
0x70: {  	_ =	shalt  }
0x71: {  	_ =	shalt  }
0x72: {  	_ =	shalt  }
0x73: {  	_ =	shalt  }
0x74: {  	_ =	shalt  }
0x75: {  	_ =	shalt  }
0x76: {  	_ =	shalt  }
0x77: {  	_ =	shalt  }
0x78: {  	_ =	shalt  }
0x79: {  	_ =	shalt  }
0x7a: {  	_ =	shalt  }
0x7b: {  	_ =	shalt  }
0x7c: {  	_ =	shalt  }
0x7d: {  	_ =	shalt  }
0x7e: {  	_ =	shalt  }
0x7f: {  	_ =	shalt  }
0x80: {  	_ =	shalt  }
0x81: {  	_ =	shalt  }
0x82: {  	_ =	shalt  }
0x83: {  	_ =	shalt  }
0x84: {  	_ =	shalt  }
0x85: {  	_ =	shalt  }
0x86: {  	_ =	shalt  }
0x87: {  	_ =	shalt  }
.Lfunc_end0:
.L_simem_size_0:
called_computation_lowered:
.L_overlay_start_0:
0x88: {  	s2 =	sld [smem:$0x3FD9]  }
0x89: {  	s3 =	sld [smem:$0x3FFE];
	_ =	sdelay $0x1  }
0x8a: {  	s1 =	srdreg.scid  }
0x8b: {  	s0 =	sand.u32 $0x1, s1  }
0x8c: {  	s17 =	sshll.u32 s0, $0xA;
	s2 =	sadd.s32 s3, s2  }
0x8d: {  	s2 =	sadd.s32 s2, s17  }
0x8e: {  	[smem:$0x3FC3] =	sst s2  }
0x8f: {  	_ = 	snop  }
0x90: {  	s2 =	sld [smem:$0x3FD0];
	(tm) =	ssettm $0x1  }
0x91: {  	s18 =	sld [smem:$0x3FFB];
	_ =	sdelay $0x3  }
0x92: {  	_ =	strace s18  }
0x93: {  	s3 =	sld [smem:$0x3FFC];
	_ =	sdelay $0x3  }
0x94: {  	_ =	strace s3  }
0x95: {  	s3 =	sld [smem:$0x3FFD];
	_ =	sdelay $0x3  }
0x96: {  	_ =	strace s3  }
0x97: {  	_ =	strace $0x8FFFFFFF  }
0x98: {  	s19 =	sld [smem:$0x3FDB];
	_ =	sdelay $0x1  }
0x99: {  	s4 =	simm.s32 $_scs_section_size  }
0x9a: {  	s5 =	simm.s32 $_size__tile_overlayer_lowered;
	s6 =	simm.s32 $_tile_overlayer_lowered  }
0x9b: {  	s22 =	simm.s32 $0x1BFF;
	s21 =	sshll.u32 s6, $0x1;
	s3 =	sadd.s32 s4, s19  }
0x9c: {  	s7 =	simm.s32 $0x0;
	s20 =	sshll.u32 s5, $0x1;
	s5 =	sadd.s32 s21, s3  }
0x9d: {  	[timem:s7], [sflag:s22] =	dma.local [hbm:s5], s20  }
0x9e: {  	_ =	swait.ge [sflag:s22], s20  }
0x9f: {  	s4 =	ssub.s32 $0x0, s20;
	[sflag:s22] =	ssyncset.done $0x0  }
0xa0: {  	[sflag:s22] =	ssyncadd.s32 s4;
	_ =	sdelay $0x1  }
0xa1: {  	s23 =	simm.s32 $0x1B8B  }
0xa2: {  	_ =	swait.ge [sflag:s23], $0x1  }
0xa3: {  	[sflag:s23] =	ssyncset.done $0x0  }
0xa4: {  	s25 =	simm.s32 $0x1B8E;
	s24 =	sld [smem:$0x3FFE];
	[sflag:s23] =	ssyncadd.s32 $0xFFFFFFFF  }
0xa5: {  	s26 =	simm.s32 $execute0_lowered;
	[smem:$0x3FD2] =	sst s25  }
0xa6: {  	s5 =	sshll.u32 s26, $0x1;
	_ =	strace $0x80000046;
	[dreg:$0x1] =	wrdreg $0xFFFFFFFF  }
0xa7: {  	s28 =	simm.s32 $_size_execute0_lowered;
	s3 =	sadd.s32 s3, s5;
	[dreg:$0x0] =	wrdreg $0x0  }
0xa8: {  	s5 =	sshll.u32 s28, $0x1;
	[dreg:$0x2] =	wrdreg s3  }
0xa9: {  	[dreg:$0x3] =	wrdreg s5  }
0xaa: {  	[dreg:$0x4] =	wrdreg $0xC0  }
0xab: {  	_ =	task [dreg:s7], $0x5FFFF  }
0xac: {  	[dreg:$0x1] =	wrdreg $0xFFFFFFFF  }
0xad: {  	[dreg:$0x0] =	wrdreg $0x60  }
0xae: {  	[dreg:$0x2] =	wrdreg s24  }
0xaf: {  	[dreg:$0x3] =	wrdreg s2  }
0xb0: {  	[dreg:$0x4] =	wrdreg $0x0  }
0xb1: {  	[dreg:$0x5] =	wrdreg $0x9  }
0xb2: {  	_ =	task.clear_ibuf [dreg:s7], $0x6FFFF;
	_ =	strace $0x90000046  }
0xb3: {  	s29 =	simm.s32 $0x9;
	_ =	strace $0x80000048  }
0xb4: {  	_ =	swait.ge [sflag:s29], $0x1  }
0xb5: {  	[sflag:s29] =	ssyncadd.s32 $0xFFFFFFFF  }
0xb6: {  	_ =	strace $0x90000048  }
0xb7: {  	_ =	sfence  }
0xb8: {  	s30 =	sld [smem:$0x0];
	_ =	sdelay $0x2  }
0xb9: {  	s31 =	sshll.u32 s1, $0xD;
	s1 =	sshrl.u32 s1, $0x2  }
0xba: {  	s3 =	sand.u32 $0x4000, s31;
	s1 =	sadd.s32 s1, s30  }
0xbb: {  	s0 =	sor.u32 s3, s0;
	s1 =	sshll.u32 s1, $0x11  }
0xbc: {  	s0 =	sor.u32 s1, s0  }
0xbd: {  	s0 =	sadd.s32 $0x8F2B, s0  }
0xbe: {  	[sflag:s0] =	ssyncadd.remote.s32 $0x1  }
0xbf: {  	_ =	sfence.sel $0xFFFF  }
0xc0: {  	[dreg:$0x0] =	wrdreg $0xFFFFFFFF;
	(pc) =	sbr.abs _section_cstart, $3  }
0xc1: {  	[dreg:$0x1] =	wrdreg $0xFFFFFFFF  }
0xc2: {  	_ =	task.clear_ibuf [dreg:s7], $0x2FFFF;
	_ =	strace $0x9FFFFFFF  }
0xc3: {  	(tm) =	ssettm $0x7FFFFFFF  }
tec
execute0_lowered:
.L_overlay_start_1:
0x0: {  	(tag) =	ssettag $0x1  }
0x1: {  	s0 =	rddreg [dreg:$0x0]  }
0x2: {  	s2 =	rddreg [dreg:$0x2]  }
0x3: {  	s3 =	simm.s32 $0x0;
	s13 =	srdreg.scid;
	s14 =	stileid.u32  }
0x4: {  	s31 =	simm.s32 $0x14180;
	[smem:$0x7FF] =	sst s3;
	s4 =	sadd.s32 $0x29200, s0  }
0x5: {  	s5 =	sadd.s32 $0x2000, s0;
	s1 =	sadd.s32 $0x55400, s0;
	s10 =	smul.u32 $0x2710, s14  }
0x6: {  	s6 =	sadd.s32 $0x50400, s0;
	s7 =	sadd.s32 $0x5AA00, s0;
	s18 =	smul.u32 $0x4E2, s14  }
0x7: {  	s8 =	sadd.s32 $0x5A400, s0;
	s11 =	sadd.s32 $0x5B000, s0;
	s22 =	smul.u32 $0xA, s14  }
0x8: {  	s24 =	smul.u32 $0x280, s14;
	_ =	strace $0x80000047;
	[dreg:$0x4] =	wrdreg s7  }
0x9: {  	s25 =	smul.u32 $0x50000, s14;
	[dreg:$0x5] =	wrdreg s8;
	s7 =	sand.u32 $0x1, s13  }
0xa: {  	[dreg:$0x6] =	wrdreg s11;
	s15 =	ssub.s32 $0x2, s7;
	s9 =	sshll.u32 s7, $0x4  }
0xb: {  	s10 =	sshrl.u32 s10, $0x3;
	s21 =	smul.u32 $0xA0, s7;
	p0 =	sne.s32 s7, $0x0  }
0xc: {  	s7 =	sor.u32 $0x50, s24;
	s16 =	sshrl.u32 s15, $0x1;
	s9 =	sor.u32 s14, s9  }
0xd: {  	s20 =	sadd.s32 s6, s10;
	s8 =	ssub.s32 s15, s16;
	s17 =	smul.u32 $0xA, s9  }
0xe: {  	s15 =	sadd.s32 s1, s10;
	s12 =	smul.u32 $0x50, s9;
	s9 =	sor.u32 $0x7C0, s9  }
0xf: {  	s10 =	sadd.s32 $0xA, s10;
	s23 =	sadd.s32 s21, s6;
	[dreg:$0x8] =	wrdreg s20  }
0x10: {  	s13 =	smul.u32 $0xA, s9;
	s16 =	sadd.s32 s1, s10;
	[dreg:$0x7] =	wrdreg s15  }
0x11: {  	s10 =	sadd.s32 s6, s10;
	p1 =	sgt.u32 s9, $0x7CF;
	[dreg:$0x9] =	wrdreg s16  }
0x12: {  	s8 =	smax.u32 s8, $0x1;
	s9 =	sadd.s32 $0x190, s24;
	[dreg:$0xa] =	wrdreg s10  }
0x13: {  	s11 =	sadd.s32 s6, s17;
	s19 =	sshrl.u32 s12, $0x3;
	s16 =	sadd.s32 s18, s1  }
0x14: {  	s17 =	sadd.s32 s18, s6;
	s10 =	sadd.s32 $0x83000, s0;
	s0 =	sadd.s32 $0xAB000, s0  }
0x15: {  	[dreg:$0xe] =	wrdreg s8;
	s8 =	sadd.s32 $0x140, s24;
	s18 =	sadd.s32 $0x1E0, s24  }
0x16: {  	s1 =	sadd.s32 $0x230, s24;
	s21 =	sshll.u32 s9, $0x7;
	[dreg:$0xb] =	wrdreg s11  }
0x17: {  	s11 =	sadd.s32 s6, s19;
	s13 =	sadd.s32 s6, s13;
	s19 =	sadd.s32 s22, s23  }
0x18: {  	s6 =	sshrl.u32 s25, $0x2;
	s10 =	smov.u32 @p0 s0;
	s22 =	sshll.u32 s18, $0x7  }
0x19: {  	s23 =	sadd.s32 s21, s2;
	s21 =	sadd.s32 $0x14, s15;
	[dreg:$0xc] =	wrdreg s13  }
0x1a: {  	s15 =	simm.s32 $0x50;
	s26 =	sadd.s32 $0x140, s11;
	[dreg:$0x15] =	wrdreg s10  }
0x1b: {  	s10 =	sshll.u32 s7, $0x7;
	s6 =	sadd.s32 s6, s2;
	[dreg:$0x1f] =	wrdreg s21  }
0x1c: {  	s13 =	sshll.u32 s8, $0x7;
	s25 =	sadd.s32 s22, s2;
	[dreg:$0x14] =	wrdreg s23  }
0x1d: {  	s22 =	smul.u32 $0x2800, s14;
	s21 =	simm.s32 $0x14100;
	[dreg:$0xd] =	wrdreg s26  }
0x1e: {  	s14 =	simm.s32 $0x7;
	[dreg:$0xf] =	wrdreg s6;
	s0 =	sadd.s32 s10, s2  }
0x1f: {  	s6 =	sadd.s32 $0xF0, s24;
	s26 =	sadd.s32 s13, s2;
	[dreg:$0x16] =	wrdreg s25  }
0x20: {  	s10 =	sshll.u32 s18, $0x4;
	s18 =	sshll.u32 s7, $0x4;
	[dreg:$0x10] =	wrdreg s0  }
0x21: {  	s7 =	simm.s32 $0x14080;
	s0 =	sadd.s32 $0xA0, s24;
	[dreg:$0x19] =	wrdreg s10  }
0x22: {  	s12 =	sshll.u32 s6, $0x7;
	s24 =	sshll.u32 s1, $0x7;
	[dreg:$0x1e] =	wrdreg s18  }
0x23: {  	s1 =	sshll.u32 s1, $0x4;
	s13 =	sshll.u32 s6, $0x4;
	[smem:$0x7FC] =	sst s22  }
0x24: {  	s10 =	simm.s32 $0x14200;
	s6 =	simm.s32 $0x3;
	[dreg:$0x13] =	wrdreg s26  }
0x25: {  	s22 =	simm.s32 $0x8;
	s18 =	simm.s32 $0x0;
	[dreg:$0x18] =	wrdreg s1  }
0x26: {  	s29 =	sadd.s32 s12, s2;
	s12 =	sshll.u32 s8, $0x4;
	[dreg:$0x1c] =	wrdreg s13  }
0x27: {  	s11 =	sshll.u32 s0, $0x7;
	s0 =	sshll.u32 s0, $0x4;
	[dreg:$0x1b] =	wrdreg s12  }
0x28: {  	s30 =	sadd.s32 s24, s2;
	s24 =	sadd.s32 $0x4D8, s20;
	[dreg:$0x1d] =	wrdreg s0  }
0x29: {  	s20 =	simm.s32 $0x9;
	s13 =	simm.s32 $0x1;
	[smem:$0x7FD] =	sst s24  }
0x2a: {  	s1 =	simm.s32 $0x2;
	s8 =	simm.s32 $0x6;
	[dreg:$0x12] =	wrdreg s29  }
0x2b: {  	s28 =	sadd.s32 s11, s2;
	s11 =	sshll.u32 s9, $0x4;
	[dreg:$0x17] =	wrdreg s30  }
0x2c: {  	s0 =	simm.s32 $0x5;
	s9 =	simm.s32 $0x16A00;
	[dreg:$0x1a] =	wrdreg s11  }
0x2d: {  	s12 =	simm.s32 $0x4;
	s11 =	simm.s32 $0x14000;
	[dreg:$0x11] =	wrdreg s28  }
.LBB2_1:
0x2e: {  	[smem:$0x7FB] =	sst s18  }
0x2f: {  	s24 =	rddreg [dreg:$0x4]  }
0x30: {  	[tilespmem:s10], [sflag:$0x9] =	stream.linear.gather [hbm4b:s24+s3], $0x2800, $0x38;
	[tilespmem:$0x19200] =	vst v63  }
0x31: {  	_ =	swait.ge [sflag:s20], $0x2800  }
0x32: {  	[sflag:s20] =	ssyncset.done $0x0  }
0x33: {  	s24 =	rddreg [dreg:$0xf];
	[sflag:s20] =	ssyncadd.s32 $0xFFFFD800  }
0x34: {  	[spmem:s24] =	stream.linear.scatter [tilespmem:s10], [sflag:$0x9], $0x2800, $0x38;
	[tilespmem:$0x19200] =	vst v63  }
0x35: {  	_ =	swait.ge [sflag:s20], $0x2800  }
0x36: {  	[sflag:s20] =	ssyncset.done $0x0  }
0x37: {  	s24 =	rddreg [dreg:$0x10];
	[sflag:s20] =	ssyncadd.s32 $0xFFFFD800  }
0x38: {  	[spmem:s24] =	stream.linear.scatter [tilespmem:s10], [sflag:$0x9], $0x2800, $0x38;
	[tilespmem:$0x19200] =	vst v63  }
0x39: {  	_ =	swait.ge [sflag:s20], $0x2800  }
0x3a: {  	[sflag:s20] =	ssyncset.done $0x0  }
0x3b: {  	[sflag:s20] =	ssyncadd.s32 $0xFFFFD800  }
0x3c: {  	[spmem:s28] =	stream.linear.scatter [tilespmem:s10], [sflag:$0x9], $0x2800, $0x38;
	[tilespmem:$0x19200] =	vst v63  }
0x3d: {  	_ =	swait.ge [sflag:s20], $0x2800  }
0x3e: {  	[sflag:s20] =	ssyncset.done $0x0  }
0x3f: {  	[sflag:s20] =	ssyncadd.s32 $0xFFFFD800  }
0x40: {  	[spmem:s29] =	stream.linear.scatter [tilespmem:s10], [sflag:$0x9], $0x2800, $0x38;
	[tilespmem:$0x19200] =	vst v63  }
0x41: {  	_ =	swait.ge [sflag:s20], $0x2800  }
0x42: {  	[sflag:s20] =	ssyncset.done $0x0  }
0x43: {  	[sflag:s20] =	ssyncadd.s32 $0xFFFFD800  }
0x44: {  	[spmem:s26] =	stream.linear.scatter [tilespmem:s10], [sflag:$0x9], $0x2800, $0x38;
	[tilespmem:$0x19200] =	vst v63  }
0x45: {  	_ =	swait.ge [sflag:s20], $0x2800  }
0x46: {  	[sflag:s20] =	ssyncset.done $0x0  }
0x47: {  	[sflag:s20] =	ssyncadd.s32 $0xFFFFD800  }
0x48: {  	[spmem:s23] =	stream.linear.scatter [tilespmem:s10], [sflag:$0x9], $0x2800, $0x38;
	[tilespmem:$0x19200] =	vst v63  }
0x49: {  	_ =	swait.ge [sflag:s20], $0x2800  }
0x4a: {  	[sflag:s20] =	ssyncset.done $0x0  }
0x4b: {  	[sflag:s20] =	ssyncadd.s32 $0xFFFFD800  }
0x4c: {  	[spmem:s25] =	stream.linear.scatter [tilespmem:s10], [sflag:$0x9], $0x2800, $0x38;
	[tilespmem:$0x19200] =	vst v63  }
0x4d: {  	_ =	swait.ge [sflag:s20], $0x2800  }
0x4e: {  	[sflag:s20] =	ssyncset.done $0x0  }
0x4f: {  	[sflag:s20] =	ssyncadd.s32 $0xFFFFD800  }
0x50: {  	[spmem:s30] =	stream.linear.scatter [tilespmem:s10], [sflag:$0x9], $0x2800, $0x38;
	[tilespmem:$0x19200] =	vst v63  }
0x51: {  	_ =	swait.ge [sflag:s20], $0x2800  }
0x52: {  	[sflag:s20] =	ssyncset.done $0x0  }
0x53: {  	[sflag:s20] =	ssyncadd.s32 $0xFFFFD800  }
0x54: {  	[bflag:$0x0] =	sbarrier.arrive $0xFFFF  }
0x55: {  	s29 =	rddreg [dreg:$0x7]  }
0x56: {  	[tilespmem:s11], [sflag:$0x1] =	stream.linear.gather [hbm4b:s29+s3], $0x50, $0x38;
	[tilespmem:$0x19200] =	vst v63  }
.Ltmp0:
0x57: {  	s30 =	rddreg [dreg:$0x8];
	(pc) =	sbr.rel @p0 .LBB2_5-.Ltmp0, $4  }
0x58: {  	[tilespmem:s21], [sflag:$0x3] =	stream.linear.gather [hbm4b:s30+s3], $0x50, $0x38;
	[tilespmem:$0x19200] =	vst v63  }
0x59: {  	_ =	swait.ge [sflag:s13], $0x50  }
0x5a: {  	[sflag:s13] =	ssyncset.done $0x0  }
0x5b: {  	[sflag:s13] =	ssyncadd.s32 $0xFFFFFFB0  }
0x5c: {  	[tilespmem:s10], [sflag:$0x5] =	stream.indirect.gather [hbm4b:s4+s15], $0x80, s11, s15, $0xb8;
	[tilespmem:$0x19200] =	vst v63  }
0x5d: {  	s24 =	rddreg [dreg:$0x9]  }
0x5e: {  	[tilespmem:s7], [sflag:$0x2] =	stream.linear.gather [hbm4b:s24+s3], $0x50, $0x38;
	[tilespmem:$0x19200] =	vst v63  }
0x5f: {  	s28 =	rddreg [dreg:$0xa]  }
0x60: {  	[tilespmem:s31], [sflag:$0x4] =	stream.linear.gather [hbm4b:s28+s3], $0x50, $0x38;
	[tilespmem:$0x19200] =	vst v63  }
0x61: {  	_ =	swait.ge [sflag:s0], $0x2800  }
0x62: {  	[sflag:s0] =	ssyncset.done $0x0  }
0x63: {  	[sflag:s0] =	ssyncadd.s32 $0xFFFFD800  }
0x64: {  	_ =	swait.ge [sflag:s6], $0x50  }
0x65: {  	[sflag:s6] =	ssyncset.done $0x0  }
0x66: {  	[sflag:s6] =	ssyncadd.s32 $0xFFFFFFB0  }
0x67: {  	[spmem:s2] =	stream.indirect.scatter.add.f32 [tilespmem:s10], [sflag:$0x7], $0x80, s21, s15, $0xb8;
	[tilespmem:$0x19200] =	vst v63  }
0x68: {  	_ =	swait.ge [sflag:s1], $0x50  }
0x69: {  	[sflag:s1] =	ssyncset.done $0x0  }
0x6a: {  	[sflag:s1] =	ssyncadd.s32 $0xFFFFFFB0  }
0x6b: {  	[tilespmem:s9], [sflag:$0x6] =	stream.indirect.gather [hbm4b:s4+s15], $0x80, s7, s15, $0xb8;
	[tilespmem:$0x19200] =	vst v63  }
0x6c: {  	s18 =	rddreg [dreg:$0x1f]  }
0x6d: {  	[tilespmem:s11], [sflag:$0x1] =	stream.linear.gather [hbm4b:s18+s3], $0x50, $0x38;
	[tilespmem:$0x19200] =	vst v63  }
0x6e: {  	_ =	swait.ge [sflag:s8], $0x2800  }
0x6f: {  	[sflag:s8] =	ssyncset.done $0x0  }
0x70: {  	[sflag:s8] =	ssyncadd.s32 $0xFFFFD800  }
0x71: {  	_ =	swait.ge [sflag:s12], $0x50  }
0x72: {  	[sflag:s12] =	ssyncset.done $0x0  }
0x73: {  	[sflag:s12] =	ssyncadd.s32 $0xFFFFFFB0  }
0x74: {  	[spmem:s2] =	stream.indirect.scatter.add.f32 [tilespmem:s9], [sflag:$0x8], $0x80, s31, s15, $0xb8;
	[tilespmem:$0x19200] =	vst v63  }
0x75: {  	_ =	swait.ge [sflag:s14], $0x2800  }
0x76: {  	s29 =	sadd.s32 $0xFFFFFB3C, s17;
	[sflag:s14] =	ssyncset.done $0x0  }
0x77: {  	s25 =	sadd.s32 $0x4D8, s29;
	[sflag:s14] =	ssyncadd.s32 $0xFFFFD800  }
0x78: {  	[tilespmem:s21], [sflag:$0x3] =	stream.linear.gather [hbm4b:s25+s3], $0x50, $0x38;
	[tilespmem:$0x19200] =	vst v63  }
0x79: {  	_ =	swait.ge [sflag:s13], $0x50  }
0x7a: {  	[sflag:s13] =	ssyncset.done $0x0  }
0x7b: {  	s30 =	sadd.s32 $0xFFFFFB3C, s16;
	[sflag:s13] =	ssyncadd.s32 $0xFFFFFFB0  }
0x7c: {  	[tilespmem:s10], [sflag:$0x5] =	stream.indirect.gather [hbm4b:s4+s15], $0x80, s11, s15, $0xb8;
	[tilespmem:$0x19200] =	vst v63  }
0x7d: {  	s26 =	sadd.s32 $0x4E2, s30  }
0x7e: {  	[tilespmem:s7], [sflag:$0x2] =	stream.linear.gather [hbm4b:s26+s3], $0x50, $0x38;
	[tilespmem:$0x19200] =	vst v63  }
0x7f: {  	_ =	swait.ge [sflag:s0], $0x2800  }
0x80: {  	[sflag:s0] =	ssyncset.done $0x0  }
0x81: {  	[sflag:s0] =	ssyncadd.s32 $0xFFFFD800  }
0x82: {  	_ =	swait.ge [sflag:s6], $0x50  }
0x83: {  	[sflag:s6] =	ssyncset.done $0x0  }
0x84: {  	[sflag:s6] =	ssyncadd.s32 $0xFFFFFFB0  }
0x85: {  	[spmem:s2] =	stream.indirect.scatter.add.f32 [tilespmem:s10], [sflag:$0x7], $0x80, s21, s15, $0xb8;
	[tilespmem:$0x19200] =	vst v63  }
0x86: {  	_ =	swait.ge [sflag:s22], $0x2800  }
0x87: {  	[sflag:s22] =	ssyncset.done $0x0  }
0x88: {  	s24 =	sadd.s32 $0x4E2, s29;
	[sflag:s22] =	ssyncadd.s32 $0xFFFFD800  }
0x89: {  	[tilespmem:s31], [sflag:$0x4] =	stream.linear.gather [hbm4b:s24+s3], $0x50, $0x38;
	[tilespmem:$0x19200] =	vst v63  }
0x8a: {  	_ =	swait.ge [sflag:s1], $0x50  }
0x8b: {  	[sflag:s1] =	ssyncset.done $0x0  }
0x8c: {  	s25 =	sadd.s32 $0x4EC, s30;
	s24 =	simm.s32 $0xFFFFFB50;
	[sflag:s1] =	ssyncadd.s32 $0xFFFFFFB0  }
0x8d: {  	[tilespmem:s9], [sflag:$0x6] =	stream.indirect.gather [hbm4b:s4+s15], $0x80, s7, s15, $0xb8;
	[tilespmem:$0x19200] =	vst v63  }
.LBB2_3:
0x8e: {  	[tilespmem:s11], [sflag:$0x1] =	stream.linear.gather [hbm4b:s25+s3], $0x50, $0x38;
	[tilespmem:$0x19200] =	vst v63  }
0x8f: {  	s25 =	smov.u32 s24  }
0x90: {  	p2 =	seq.s32 s24, $0xFFFFFFEC;
	s24 =	sadd.s32 $0x14, s24;
	_ =	swait.ge [sflag:s8], $0x2800  }
0x91: {  	[sflag:s8] =	ssyncset.done $0x0  }
0x92: {  	[sflag:s8] =	ssyncadd.s32 $0xFFFFD800  }
0x93: {  	_ =	swait.ge [sflag:s12], $0x50  }
0x94: {  	[sflag:s12] =	ssyncset.done $0x0  }
0x95: {  	[sflag:s12] =	ssyncadd.s32 $0xFFFFFFB0  }
0x96: {  	[spmem:s2] =	stream.indirect.scatter.add.f32 [tilespmem:s9], [sflag:$0x8], $0x80, s31, s15, $0xb8;
	[tilespmem:$0x19200] =	vst v63  }
0x97: {  	_ =	swait.ge [sflag:s14], $0x2800  }
0x98: {  	s26 =	sadd.s32 s25, s17;
	[sflag:s14] =	ssyncset.done $0x0  }
0x99: {  	s28 =	sadd.s32 $0x4D8, s26;
	[sflag:s14] =	ssyncadd.s32 $0xFFFFD800  }
0x9a: {  	[tilespmem:s21], [sflag:$0x3] =	stream.linear.gather [hbm4b:s28+s3], $0x50, $0x38;
	[tilespmem:$0x19200] =	vst v63  }
0x9b: {  	_ =	swait.ge [sflag:s13], $0x50  }
0x9c: {  	[sflag:s13] =	ssyncset.done $0x0  }
0x9d: {  	s25 =	sadd.s32 s25, s16;
	[sflag:s13] =	ssyncadd.s32 $0xFFFFFFB0  }
0x9e: {  	[tilespmem:s10], [sflag:$0x5] =	stream.indirect.gather [hbm4b:s4+s15], $0x80, s11, s15, $0xb8;
	[tilespmem:$0x19200] =	vst v63  }
0x9f: {  	s28 =	sadd.s32 $0x4E2, s25  }
0xa0: {  	[tilespmem:s7], [sflag:$0x2] =	stream.linear.gather [hbm4b:s28+s3], $0x50, $0x38;
	[tilespmem:$0x19200] =	vst v63  }
0xa1: {  	_ =	swait.ge [sflag:s0], $0x2800  }
0xa2: {  	[sflag:s0] =	ssyncset.done $0x0  }
0xa3: {  	[sflag:s0] =	ssyncadd.s32 $0xFFFFD800  }
0xa4: {  	_ =	swait.ge [sflag:s6], $0x50  }
0xa5: {  	[sflag:s6] =	ssyncset.done $0x0  }
0xa6: {  	[sflag:s6] =	ssyncadd.s32 $0xFFFFFFB0  }
0xa7: {  	[spmem:s2] =	stream.indirect.scatter.add.f32 [tilespmem:s10], [sflag:$0x7], $0x80, s21, s15, $0xb8;
	[tilespmem:$0x19200] =	vst v63  }
0xa8: {  	_ =	swait.ge [sflag:s22], $0x2800  }
0xa9: {  	[sflag:s22] =	ssyncset.done $0x0  }
0xaa: {  	s26 =	sadd.s32 $0x4E2, s26;
	[sflag:s22] =	ssyncadd.s32 $0xFFFFD800  }
0xab: {  	[tilespmem:s31], [sflag:$0x4] =	stream.linear.gather [hbm4b:s26+s3], $0x50, $0x38;
	[tilespmem:$0x19200] =	vst v63  }
.Ltmp1:
0xac: {  	_ =	swait.ge [sflag:s1], $0x50;
	(pc) =	sbr.rel @!p2 .LBB2_3-.Ltmp1, $4  }
0xad: {  	[sflag:s1] =	ssyncset.done $0x0  }
0xae: {  	[sflag:s1] =	ssyncadd.s32 $0xFFFFFFB0  }
0xaf: {  	[tilespmem:s9], [sflag:$0x6] =	stream.indirect.gather [hbm4b:s4+s15], $0x80, s7, s15, $0xb8;
	[tilespmem:$0x19200] =	vst v63  }
0xb0: {  	s25 =	sadd.s32 $0x4EC, s25  }
.Ltmp2:
0xb1: {  	(pc) =	sbr.rel .LBB2_8-.Ltmp2, $3  }
0xb2: {  	_ =	sdelay $0x1  }
0xb3: {  	[tilespmem:s11], [sflag:$0x1] =	stream.linear.gather [hbm4b:s25+s3], $0x50, $0x38;
	[tilespmem:$0x19200] =	vst v63  }
0xb4: {  	s25 =	smov.u32 s4;
	s24 =	rddreg [dreg:$0x1]  }
.LBB2_5:
0xb5: {  	[tilespmem:s10], [sflag:$0x5] =	stream.indirect.gather [hbm4b:s5+s15], $0x80, s11, s15, $0xb8;
	[tilespmem:$0x19200] =	vst v63  }
0xb6: {  	s24 =	rddreg [dreg:$0x9]  }
0xb7: {  	[tilespmem:s7], [sflag:$0x2] =	stream.linear.gather [hbm4b:s24+s3], $0x50, $0x38;
	[tilespmem:$0x19200] =	vst v63  }
0xb8: {  	s28 =	rddreg [dreg:$0xa]  }
0xb9: {  	[tilespmem:s31], [sflag:$0x4] =	stream.linear.gather [hbm4b:s28+s3], $0x50, $0x38;
	[tilespmem:$0x19200] =	vst v63  }
0xba: {  	_ =	swait.ge [sflag:s0], $0x2800  }
0xbb: {  	[sflag:s0] =	ssyncset.done $0x0  }
0xbc: {  	[sflag:s0] =	ssyncadd.s32 $0xFFFFD800  }
0xbd: {  	_ =	swait.ge [sflag:s6], $0x50  }
0xbe: {  	[sflag:s6] =	ssyncset.done $0x0  }
0xbf: {  	[sflag:s6] =	ssyncadd.s32 $0xFFFFFFB0  }
0xc0: {  	[spmem:s2] =	stream.indirect.scatter.add.f32 [tilespmem:s10], [sflag:$0x7], $0x80, s21, s15, $0xb8;
	[tilespmem:$0x19200] =	vst v63  }
0xc1: {  	_ =	swait.ge [sflag:s1], $0x50  }
0xc2: {  	[sflag:s1] =	ssyncset.done $0x0  }
0xc3: {  	[sflag:s1] =	ssyncadd.s32 $0xFFFFFFB0  }
0xc4: {  	[tilespmem:s9], [sflag:$0x6] =	stream.indirect.gather [hbm4b:s5+s15], $0x80, s7, s15, $0xb8;
	[tilespmem:$0x19200] =	vst v63  }
0xc5: {  	s18 =	rddreg [dreg:$0x1f]  }
0xc6: {  	[tilespmem:s11], [sflag:$0x1] =	stream.linear.gather [hbm4b:s18+s3], $0x50, $0x38;
	[tilespmem:$0x19200] =	vst v63  }
0xc7: {  	_ =	swait.ge [sflag:s8], $0x2800  }
0xc8: {  	[sflag:s8] =	ssyncset.done $0x0  }
0xc9: {  	[sflag:s8] =	ssyncadd.s32 $0xFFFFD800  }
0xca: {  	_ =	swait.ge [sflag:s12], $0x50  }
0xcb: {  	[sflag:s12] =	ssyncset.done $0x0  }
0xcc: {  	[sflag:s12] =	ssyncadd.s32 $0xFFFFFFB0  }
0xcd: {  	[spmem:s2] =	stream.indirect.scatter.add.f32 [tilespmem:s9], [sflag:$0x8], $0x80, s31, s15, $0xb8;
	[tilespmem:$0x19200] =	vst v63  }
0xce: {  	_ =	swait.ge [sflag:s14], $0x2800  }
0xcf: {  	s29 =	sadd.s32 $0xFFFFFB3C, s17;
	[sflag:s14] =	ssyncset.done $0x0  }
0xd0: {  	s25 =	sadd.s32 $0x4D8, s29;
	[sflag:s14] =	ssyncadd.s32 $0xFFFFD800  }
0xd1: {  	[tilespmem:s21], [sflag:$0x3] =	stream.linear.gather [hbm4b:s25+s3], $0x50, $0x38;
	[tilespmem:$0x19200] =	vst v63  }
0xd2: {  	_ =	swait.ge [sflag:s13], $0x50  }
0xd3: {  	[sflag:s13] =	ssyncset.done $0x0  }
0xd4: {  	s30 =	sadd.s32 $0xFFFFFB3C, s16;
	[sflag:s13] =	ssyncadd.s32 $0xFFFFFFB0  }
0xd5: {  	[tilespmem:s10], [sflag:$0x5] =	stream.indirect.gather [hbm4b:s5+s15], $0x80, s11, s15, $0xb8;
	[tilespmem:$0x19200] =	vst v63  }
0xd6: {  	s26 =	sadd.s32 $0x4E2, s30  }
0xd7: {  	[tilespmem:s7], [sflag:$0x2] =	stream.linear.gather [hbm4b:s26+s3], $0x50, $0x38;
	[tilespmem:$0x19200] =	vst v63  }
0xd8: {  	_ =	swait.ge [sflag:s0], $0x2800  }
0xd9: {  	[sflag:s0] =	ssyncset.done $0x0  }
0xda: {  	[sflag:s0] =	ssyncadd.s32 $0xFFFFD800  }
0xdb: {  	_ =	swait.ge [sflag:s6], $0x50  }
0xdc: {  	[sflag:s6] =	ssyncset.done $0x0  }
0xdd: {  	[sflag:s6] =	ssyncadd.s32 $0xFFFFFFB0  }
0xde: {  	[spmem:s2] =	stream.indirect.scatter.add.f32 [tilespmem:s10], [sflag:$0x7], $0x80, s21, s15, $0xb8;
	[tilespmem:$0x19200] =	vst v63  }
0xdf: {  	_ =	swait.ge [sflag:s22], $0x2800  }
0xe0: {  	[sflag:s22] =	ssyncset.done $0x0  }
0xe1: {  	s24 =	sadd.s32 $0x4E2, s29;
	[sflag:s22] =	ssyncadd.s32 $0xFFFFD800  }
0xe2: {  	[tilespmem:s31], [sflag:$0x4] =	stream.linear.gather [hbm4b:s24+s3], $0x50, $0x38;
	[tilespmem:$0x19200] =	vst v63  }
0xe3: {  	_ =	swait.ge [sflag:s1], $0x50  }
0xe4: {  	[sflag:s1] =	ssyncset.done $0x0  }
0xe5: {  	s25 =	sadd.s32 $0x4EC, s30;
	s24 =	simm.s32 $0xFFFFFB50;
	[sflag:s1] =	ssyncadd.s32 $0xFFFFFFB0  }
0xe6: {  	[tilespmem:s9], [sflag:$0x6] =	stream.indirect.gather [hbm4b:s5+s15], $0x80, s7, s15, $0xb8;
	[tilespmem:$0x19200] =	vst v63  }
.LBB2_6:
0xe7: {  	[tilespmem:s11], [sflag:$0x1] =	stream.linear.gather [hbm4b:s25+s3], $0x50, $0x38;
	[tilespmem:$0x19200] =	vst v63  }
0xe8: {  	s25 =	smov.u32 s24  }
0xe9: {  	p2 =	sne.s32 s24, $0xFFFFFFEC;
	s24 =	sadd.s32 $0x14, s24;
	_ =	swait.ge [sflag:s8], $0x2800  }
0xea: {  	[sflag:s8] =	ssyncset.done $0x0  }
0xeb: {  	[sflag:s8] =	ssyncadd.s32 $0xFFFFD800  }
0xec: {  	_ =	swait.ge [sflag:s12], $0x50  }
0xed: {  	[sflag:s12] =	ssyncset.done $0x0  }
0xee: {  	[sflag:s12] =	ssyncadd.s32 $0xFFFFFFB0  }
0xef: {  	[spmem:s2] =	stream.indirect.scatter.add.f32 [tilespmem:s9], [sflag:$0x8], $0x80, s31, s15, $0xb8;
	[tilespmem:$0x19200] =	vst v63  }
0xf0: {  	_ =	swait.ge [sflag:s14], $0x2800  }
0xf1: {  	s26 =	sadd.s32 s25, s17;
	[sflag:s14] =	ssyncset.done $0x0  }
0xf2: {  	s28 =	sadd.s32 $0x4D8, s26;
	[sflag:s14] =	ssyncadd.s32 $0xFFFFD800  }
0xf3: {  	[tilespmem:s21], [sflag:$0x3] =	stream.linear.gather [hbm4b:s28+s3], $0x50, $0x38;
	[tilespmem:$0x19200] =	vst v63  }
0xf4: {  	_ =	swait.ge [sflag:s13], $0x50  }
0xf5: {  	[sflag:s13] =	ssyncset.done $0x0  }
0xf6: {  	s25 =	sadd.s32 s25, s16;
	[sflag:s13] =	ssyncadd.s32 $0xFFFFFFB0  }
0xf7: {  	[tilespmem:s10], [sflag:$0x5] =	stream.indirect.gather [hbm4b:s5+s15], $0x80, s11, s15, $0xb8;
	[tilespmem:$0x19200] =	vst v63  }
0xf8: {  	s28 =	sadd.s32 $0x4E2, s25  }
0xf9: {  	[tilespmem:s7], [sflag:$0x2] =	stream.linear.gather [hbm4b:s28+s3], $0x50, $0x38;
	[tilespmem:$0x19200] =	vst v63  }
0xfa: {  	_ =	swait.ge [sflag:s0], $0x2800  }
0xfb: {  	[sflag:s0] =	ssyncset.done $0x0  }
0xfc: {  	[sflag:s0] =	ssyncadd.s32 $0xFFFFD800  }
0xfd: {  	_ =	swait.ge [sflag:s6], $0x50  }
0xfe: {  	[sflag:s6] =	ssyncset.done $0x0  }
0xff: {  	[sflag:s6] =	ssyncadd.s32 $0xFFFFFFB0  }
0x100: {  	[spmem:s2] =	stream.indirect.scatter.add.f32 [tilespmem:s10], [sflag:$0x7], $0x80, s21, s15, $0xb8;
	[tilespmem:$0x19200] =	vst v63  }
0x101: {  	_ =	swait.ge [sflag:s22], $0x2800  }
0x102: {  	[sflag:s22] =	ssyncset.done $0x0  }
0x103: {  	s26 =	sadd.s32 $0x4E2, s26;
	[sflag:s22] =	ssyncadd.s32 $0xFFFFD800  }
0x104: {  	[tilespmem:s31], [sflag:$0x4] =	stream.linear.gather [hbm4b:s26+s3], $0x50, $0x38;
	[tilespmem:$0x19200] =	vst v63  }
.Ltmp3:
0x105: {  	_ =	swait.ge [sflag:s1], $0x50;
	(pc) =	sbr.rel @p2 .LBB2_6-.Ltmp3, $4  }
0x106: {  	[sflag:s1] =	ssyncset.done $0x0  }
0x107: {  	[sflag:s1] =	ssyncadd.s32 $0xFFFFFFB0  }
0x108: {  	[tilespmem:s9], [sflag:$0x6] =	stream.indirect.gather [hbm4b:s5+s15], $0x80, s7, s15, $0xb8;
	[tilespmem:$0x19200] =	vst v63  }
0x109: {  	s25 =	sadd.s32 $0x4EC, s25  }
0x10a: {  	[tilespmem:s11], [sflag:$0x1] =	stream.linear.gather [hbm4b:s25+s3], $0x50, $0x38;
	[tilespmem:$0x19200] =	vst v63  }
0x10b: {  	s25 =	smov.u32 s5;
	s24 =	rddreg [dreg:$0x6]  }
.LBB2_8:
0x10c: {  	_ =	swait.ge [sflag:s8], $0x2800  }
0x10d: {  	[sflag:s8] =	ssyncset.done $0x0  }
0x10e: {  	[sflag:s8] =	ssyncadd.s32 $0xFFFFD800  }
0x10f: {  	_ =	swait.ge [sflag:s12], $0x50  }
0x110: {  	[sflag:s12] =	ssyncset.done $0x0  }
0x111: {  	[sflag:s12] =	ssyncadd.s32 $0xFFFFFFB0  }
0x112: {  	[spmem:s2] =	stream.indirect.scatter.add.f32 [tilespmem:s9], [sflag:$0x8], $0x80, s31, s15, $0xb8;
	[tilespmem:$0x19200] =	vst v63  }
0x113: {  	_ =	swait.ge [sflag:s14], $0x2800  }
0x114: {  	s18 =	sld [smem:$0x7FD]  }
0x115: {  	[sflag:s14] =	ssyncset.done $0x0  }
0x116: {  	[sflag:s14] =	ssyncadd.s32 $0xFFFFD800  }
0x117: {  	[tilespmem:s21], [sflag:$0x3] =	stream.linear.gather [hbm4b:s18+s3], $0x50, $0x38;
	[tilespmem:$0x19200] =	vst v63  }
0x118: {  	_ =	swait.ge [sflag:s13], $0x50  }
0x119: {  	[sflag:s13] =	ssyncset.done $0x0  }
0x11a: {  	[sflag:s13] =	ssyncadd.s32 $0xFFFFFFB0  }
0x11b: {  	[tilespmem:s10], [sflag:$0x5] =	stream.indirect.gather [hbm4b:s25+s15], $0x80, s11, s15, $0xb8;
	[tilespmem:$0x19200] =	vst v63  }
0x11c: {  	_ =	swait.ge [sflag:s0], $0x2800  }
0x11d: {  	[sflag:s0] =	ssyncset.done $0x0  }
0x11e: {  	[sflag:s0] =	ssyncadd.s32 $0xFFFFD800  }
0x11f: {  	_ =	swait.ge [sflag:s6], $0x50  }
0x120: {  	[sflag:s6] =	ssyncset.done $0x0  }
0x121: {  	[sflag:s6] =	ssyncadd.s32 $0xFFFFFFB0  }
0x122: {  	[spmem:s2] =	stream.indirect.scatter.add.f32 [tilespmem:s10], [sflag:$0x7], $0x80, s21, s15, $0xb8;
	[tilespmem:$0x19200] =	vst v63  }
0x123: {  	_ =	swait.ge [sflag:s22], $0x2800  }
0x124: {  	[sflag:s22] =	ssyncset.done $0x0  }
0x125: {  	[sflag:s22] =	ssyncadd.s32 $0xFFFFD800  }
0x126: {  	_ =	swait.ge [sflag:s14], $0x2800  }
0x127: {  	[sflag:s14] =	ssyncset.done $0x0  }
0x128: {  	[sflag:s14] =	ssyncadd.s32 $0xFFFFD800  }
0x129: {  	[bflag:$0x0] =	sbarrier.arrive $0xFFFF  }
0x12a: {  	s26 =	rddreg [dreg:$0xf]  }
0x12b: {  	[tilespmem:s10], [sflag:$0x9] =	stream.linear.gather [spmem:s26], $0x2800, $0x38;
	[tilespmem:$0x19200] =	vst v63  }
0x12c: {  	_ =	swait.ge [sflag:s20], $0x2800  }
0x12d: {  	s28 =	sld [smem:$0x7FC];
	_ =	sdelay $0x1  }
0x12e: {  	[sflag:s20] =	ssyncset.done $0x0  }
0x12f: {  	[sflag:s20] =	ssyncadd.s32 $0xFFFFD800;
	s18 =	sadd.s32 s24, s28  }
0x130: {  	[hbm4b:s18+s3] =	stream.linear.scatter [tilespmem:s10], [sflag:$0x9], $0x2800, $0x38;
	[tilespmem:$0x19200] =	vst v63  }
0x131: {  	_ =	swait.ge [sflag:s20], $0x2800  }
0x132: {  	[sflag:s20] =	ssyncset.done $0x0  }
0x133: {  	s23 =	rddreg [dreg:$0x10];
	[sflag:s20] =	ssyncadd.s32 $0xFFFFD800  }
0x134: {  	[tilespmem:s10], [sflag:$0x9] =	stream.linear.gather [spmem:s23], $0x2800, $0x38;
	[tilespmem:$0x19200] =	vst v63  }
0x135: {  	_ =	swait.ge [sflag:s20], $0x2800  }
0x136: {  	[sflag:s20] =	ssyncset.done $0x0;
	s25 =	rddreg [dreg:$0x1e]  }
0x137: {  	s26 =	sadd.s32 s24, s25;
	[sflag:s20] =	ssyncadd.s32 $0xFFFFD800  }
0x138: {  	[hbm4b:s26+s3] =	stream.linear.scatter [tilespmem:s10], [sflag:$0x9], $0x2800, $0x38;
	[tilespmem:$0x19200] =	vst v63  }
0x139: {  	_ =	swait.ge [sflag:s20], $0x2800  }
0x13a: {  	[sflag:s20] =	ssyncset.done $0x0  }
0x13b: {  	s26 =	rddreg [dreg:$0x11];
	[sflag:s20] =	ssyncadd.s32 $0xFFFFD800  }
0x13c: {  	[tilespmem:s10], [sflag:$0x9] =	stream.linear.gather [spmem:s26], $0x2800, $0x38;
	[tilespmem:$0x19200] =	vst v63  }
0x13d: {  	_ =	swait.ge [sflag:s20], $0x2800  }
0x13e: {  	[sflag:s20] =	ssyncset.done $0x0;
	s28 =	rddreg [dreg:$0x1d]  }
0x13f: {  	s23 =	sadd.s32 s24, s28;
	[sflag:s20] =	ssyncadd.s32 $0xFFFFD800  }
0x140: {  	[hbm4b:s23+s3] =	stream.linear.scatter [tilespmem:s10], [sflag:$0x9], $0x2800, $0x38;
	[tilespmem:$0x19200] =	vst v63  }
0x141: {  	_ =	swait.ge [sflag:s20], $0x2800  }
0x142: {  	[sflag:s20] =	ssyncset.done $0x0  }
0x143: {  	s29 =	rddreg [dreg:$0x12];
	[sflag:s20] =	ssyncadd.s32 $0xFFFFD800  }
0x144: {  	[tilespmem:s10], [sflag:$0x9] =	stream.linear.gather [spmem:s29], $0x2800, $0x38;
	[tilespmem:$0x19200] =	vst v63  }
0x145: {  	_ =	swait.ge [sflag:s20], $0x2800  }
0x146: {  	[sflag:s20] =	ssyncset.done $0x0;
	s28 =	rddreg [dreg:$0x1c]  }
0x147: {  	s23 =	sadd.s32 s24, s28;
	[sflag:s20] =	ssyncadd.s32 $0xFFFFD800  }
0x148: {  	[hbm4b:s23+s3] =	stream.linear.scatter [tilespmem:s10], [sflag:$0x9], $0x2800, $0x38;
	[tilespmem:$0x19200] =	vst v63  }
0x149: {  	_ =	swait.ge [sflag:s20], $0x2800  }
0x14a: {  	[sflag:s20] =	ssyncset.done $0x0  }
0x14b: {  	s30 =	rddreg [dreg:$0x13];
	[sflag:s20] =	ssyncadd.s32 $0xFFFFD800  }
0x14c: {  	[tilespmem:s10], [sflag:$0x9] =	stream.linear.gather [spmem:s30], $0x2800, $0x38;
	[tilespmem:$0x19200] =	vst v63  }
0x14d: {  	_ =	swait.ge [sflag:s20], $0x2800  }
0x14e: {  	[sflag:s20] =	ssyncset.done $0x0;
	s28 =	rddreg [dreg:$0x1b]  }
0x14f: {  	s23 =	sadd.s32 s24, s28;
	[sflag:s20] =	ssyncadd.s32 $0xFFFFD800  }
0x150: {  	[hbm4b:s23+s3] =	stream.linear.scatter [tilespmem:s10], [sflag:$0x9], $0x2800, $0x38;
	[tilespmem:$0x19200] =	vst v63  }
0x151: {  	_ =	swait.ge [sflag:s20], $0x2800  }
0x152: {  	[sflag:s20] =	ssyncset.done $0x0  }
0x153: {  	s23 =	rddreg [dreg:$0x14];
	[sflag:s20] =	ssyncadd.s32 $0xFFFFD800  }
0x154: {  	[tilespmem:s10], [sflag:$0x9] =	stream.linear.gather [spmem:s23], $0x2800, $0x38;
	[tilespmem:$0x19200] =	vst v63  }
0x155: {  	_ =	swait.ge [sflag:s20], $0x2800  }
0x156: {  	[sflag:s20] =	ssyncset.done $0x0;
	s28 =	rddreg [dreg:$0x1a]  }
0x157: {  	s18 =	sadd.s32 s24, s28;
	[sflag:s20] =	ssyncadd.s32 $0xFFFFD800  }
0x158: {  	[hbm4b:s18+s3] =	stream.linear.scatter [tilespmem:s10], [sflag:$0x9], $0x2800, $0x38;
	[tilespmem:$0x19200] =	vst v63  }
0x159: {  	_ =	swait.ge [sflag:s20], $0x2800  }
0x15a: {  	[sflag:s20] =	ssyncset.done $0x0  }
0x15b: {  	s18 =	rddreg [dreg:$0x16];
	[sflag:s20] =	ssyncadd.s32 $0xFFFFD800  }
0x15c: {  	[tilespmem:s10], [sflag:$0x9] =	stream.linear.gather [spmem:s18], $0x2800, $0x38;
	[tilespmem:$0x19200] =	vst v63  }
0x15d: {  	_ =	swait.ge [sflag:s20], $0x2800  }
0x15e: {  	[sflag:s20] =	ssyncset.done $0x0;
	s28 =	rddreg [dreg:$0x19]  }
0x15f: {  	s25 =	sadd.s32 s24, s28;
	[sflag:s20] =	ssyncadd.s32 $0xFFFFD800  }
0x160: {  	[hbm4b:s25+s3] =	stream.linear.scatter [tilespmem:s10], [sflag:$0x9], $0x2800, $0x38;
	[tilespmem:$0x19200] =	vst v63  }
0x161: {  	_ =	swait.ge [sflag:s20], $0x2800  }
0x162: {  	[sflag:s20] =	ssyncset.done $0x0  }
0x163: {  	s25 =	rddreg [dreg:$0x17];
	[sflag:s20] =	ssyncadd.s32 $0xFFFFD800  }
0x164: {  	[tilespmem:s10], [sflag:$0x9] =	stream.linear.gather [spmem:s25], $0x2800, $0x38;
	[tilespmem:$0x19200] =	vst v63  }
0x165: {  	_ =	swait.ge [sflag:s20], $0x2800  }
0x166: {  	[sflag:s20] =	ssyncset.done $0x0;
	s28 =	rddreg [dreg:$0x18]  }
0x167: {  	s28 =	sadd.s32 s24, s28;
	[sflag:s20] =	ssyncadd.s32 $0xFFFFD800  }
0x168: {  	[hbm4b:s28+s3] =	stream.linear.scatter [tilespmem:s10], [sflag:$0x9], $0x2800, $0x38;
	[tilespmem:$0x19200] =	vst v63  }
0x169: {  	_ =	swait.ge [sflag:s20], $0x2800  }
0x16a: {  	[sflag:s20] =	ssyncset.done $0x0  }
0x16b: {  	[sflag:s20] =	ssyncadd.s32 $0xFFFFD800  }
0x16c: {  	[bflag:$0x0] =	sbarrier.arrive $0xFFFF  }
0x16d: {  	s28 =	rddreg [dreg:$0x4]  }
0x16e: {  	[tilespmem:s10], [sflag:$0x9] =	stream.linear.gather [hbm4b:s28+s3], $0x2800, $0x38;
	[tilespmem:$0x19200] =	vst v63  }
0x16f: {  	_ =	swait.ge [sflag:s20], $0x2800  }
0x170: {  	[sflag:s20] =	ssyncset.done $0x0  }
0x171: {  	s28 =	rddreg [dreg:$0xf];
	[sflag:s20] =	ssyncadd.s32 $0xFFFFD800  }
0x172: {  	[spmem:s28] =	stream.linear.scatter [tilespmem:s10], [sflag:$0x9], $0x2800, $0x38;
	[tilespmem:$0x19200] =	vst v63  }
0x173: {  	_ =	swait.ge [sflag:s20], $0x2800  }
0x174: {  	[sflag:s20] =	ssyncset.done $0x0  }
0x175: {  	s28 =	rddreg [dreg:$0x10];
	[sflag:s20] =	ssyncadd.s32 $0xFFFFD800  }
0x176: {  	[spmem:s28] =	stream.linear.scatter [tilespmem:s10], [sflag:$0x9], $0x2800, $0x38;
	[tilespmem:$0x19200] =	vst v63  }
0x177: {  	_ =	swait.ge [sflag:s20], $0x2800  }
0x178: {  	[sflag:s20] =	ssyncset.done $0x0  }
0x179: {  	[sflag:s20] =	ssyncadd.s32 $0xFFFFD800  }
0x17a: {  	[spmem:s26] =	stream.linear.scatter [tilespmem:s10], [sflag:$0x9], $0x2800, $0x38;
	[tilespmem:$0x19200] =	vst v63  }
0x17b: {  	_ =	swait.ge [sflag:s20], $0x2800  }
0x17c: {  	[sflag:s20] =	ssyncset.done $0x0  }
0x17d: {  	[sflag:s20] =	ssyncadd.s32 $0xFFFFD800  }
0x17e: {  	[spmem:s29] =	stream.linear.scatter [tilespmem:s10], [sflag:$0x9], $0x2800, $0x38;
	[tilespmem:$0x19200] =	vst v63  }
0x17f: {  	_ =	swait.ge [sflag:s20], $0x2800  }
0x180: {  	[sflag:s20] =	ssyncset.done $0x0  }
0x181: {  	[sflag:s20] =	ssyncadd.s32 $0xFFFFD800  }
0x182: {  	[spmem:s30] =	stream.linear.scatter [tilespmem:s10], [sflag:$0x9], $0x2800, $0x38;
	[tilespmem:$0x19200] =	vst v63  }
0x183: {  	_ =	swait.ge [sflag:s20], $0x2800  }
0x184: {  	[sflag:s20] =	ssyncset.done $0x0  }
0x185: {  	[sflag:s20] =	ssyncadd.s32 $0xFFFFD800  }
0x186: {  	[spmem:s23] =	stream.linear.scatter [tilespmem:s10], [sflag:$0x9], $0x2800, $0x38;
	[tilespmem:$0x19200] =	vst v63  }
0x187: {  	_ =	swait.ge [sflag:s20], $0x2800  }
0x188: {  	[sflag:s20] =	ssyncset.done $0x0  }
0x189: {  	[sflag:s20] =	ssyncadd.s32 $0xFFFFD800  }
0x18a: {  	[spmem:s18] =	stream.linear.scatter [tilespmem:s10], [sflag:$0x9], $0x2800, $0x38;
	[tilespmem:$0x19200] =	vst v63  }
0x18b: {  	_ =	swait.ge [sflag:s20], $0x2800  }
0x18c: {  	[sflag:s20] =	ssyncset.done $0x0  }
0x18d: {  	[sflag:s20] =	ssyncadd.s32 $0xFFFFD800  }
0x18e: {  	[spmem:s25] =	stream.linear.scatter [tilespmem:s10], [sflag:$0x9], $0x2800, $0x38;
	[tilespmem:$0x19200] =	vst v63  }
0x18f: {  	_ =	swait.ge [sflag:s20], $0x2800  }
0x190: {  	[sflag:s20] =	ssyncset.done $0x0  }
0x191: {  	s28 =	rddreg [dreg:$0x5];
	[sflag:s20] =	ssyncadd.s32 $0xFFFFD800  }
0x192: {  	[tilespmem:s9], [sflag:$0x9] =	stream.linear.gather [hbm4b:s28+s3], $0x2800, $0x38;
	[tilespmem:$0x19200] =	vst v63  }
0x193: {  	_ =	swait.ge [sflag:s20], $0x2800  }
0x194: {  	[sflag:s20] =	ssyncset.done $0x0  }
0x195: {  	[sflag:s20] =	ssyncadd.s32 $0xFFFFD800  }
0x196: {  	[bflag:$0x0] =	sbarrier.arrive $0xFFFF  }
0x197: {  	s18 =	rddreg [dreg:$0xb]  }
0x198: {  	[tilespmem:s21], [sflag:$0x3] =	stream.linear.gather [hbm4b:s18+s3], $0x50, $0x38;
	[tilespmem:$0x19200] =	vst v63  }
0x199: {  	s25 =	rddreg [dreg:$0xd]  }
0x19a: {  	[tilespmem:s31], [sflag:$0x4] =	stream.linear.gather [hbm4b:s25+s3], $0x50, $0x38;
	[tilespmem:$0x19200] =	vst v63  }
0x19b: {  	_ =	swait.ge [sflag:s6], $0x50  }
0x19c: {  	[sflag:s6] =	ssyncset.done $0x0  }
0x19d: {  	[sflag:s6] =	ssyncadd.s32 $0xFFFFFFB0  }
0x19e: {  	[spmem:s2] =	stream.indirect.scatter.add.f32 [tilespmem:s9], [sflag:$0x7], $0x80, s21, s15, $0xb8;
	[tilespmem:$0x19200] =	vst v63  }
0x19f: {  	_ =	swait.ge [sflag:s14], $0x2800  }
0x1a0: {  	s26 =	sadd.s32 $0xFFFFB500, s19;
	[sflag:s14] =	ssyncset.done $0x0  }
0x1a1: {  	s28 =	sadd.s32 $0x4D80, s26;
	[sflag:s14] =	ssyncadd.s32 $0xFFFFD800  }
0x1a2: {  	[tilespmem:s21], [sflag:$0x3] =	stream.linear.gather [hbm4b:s28+s3], $0x50, $0x38;
	[tilespmem:$0x19200] =	vst v63  }
0x1a3: {  	_ =	swait.ge [sflag:s12], $0x50  }
0x1a4: {  	[sflag:s12] =	ssyncset.done $0x0  }
0x1a5: {  	[sflag:s12] =	ssyncadd.s32 $0xFFFFFFB0  }
0x1a6: {  	[spmem:s2] =	stream.indirect.scatter.add.f32 [tilespmem:s9], [sflag:$0x8], $0x80, s31, s15, $0xb8;
	[tilespmem:$0x19200] =	vst v63  }
0x1a7: {  	_ =	swait.ge [sflag:s22], $0x2800  }
0x1a8: {  	[sflag:s22] =	ssyncset.done $0x0  }
0x1a9: {  	s24 =	sadd.s32 $0x4EC0, s26;
	[sflag:s22] =	ssyncadd.s32 $0xFFFFD800  }
0x1aa: {  	[tilespmem:s31], [sflag:$0x4] =	stream.linear.gather [hbm4b:s24+s3], $0x50, $0x38;
	[tilespmem:$0x19200] =	vst v63  }
0x1ab: {  	_ =	swait.ge [sflag:s6], $0x50  }
0x1ac: {  	[sflag:s6] =	ssyncset.done $0x0  }
0x1ad: {  	s24 =	simm.s32 $0xFFFFB780;
	[sflag:s6] =	ssyncadd.s32 $0xFFFFFFB0  }
.LBB2_9:
0x1ae: {  	[spmem:s2] =	stream.indirect.scatter.add.f32 [tilespmem:s9], [sflag:$0x7], $0x80, s21, s15, $0xb8;
	[tilespmem:$0x19200] =	vst v63  }
0x1af: {  	s25 =	smov.u32 s24  }
0x1b0: {  	p2 =	sne.s32 s24, $0xFFFFFD80;
	s24 =	sadd.s32 $0x280, s24;
	_ =	swait.ge [sflag:s14], $0x2800  }
0x1b1: {  	s25 =	sadd.s32 s25, s19;
	[sflag:s14] =	ssyncset.done $0x0  }
0x1b2: {  	s26 =	sadd.s32 $0x4D80, s25;
	[sflag:s14] =	ssyncadd.s32 $0xFFFFD800  }
0x1b3: {  	[tilespmem:s21], [sflag:$0x3] =	stream.linear.gather [hbm4b:s26+s3], $0x50, $0x38;
	[tilespmem:$0x19200] =	vst v63  }
0x1b4: {  	_ =	swait.ge [sflag:s12], $0x50  }
0x1b5: {  	[sflag:s12] =	ssyncset.done $0x0  }
0x1b6: {  	[sflag:s12] =	ssyncadd.s32 $0xFFFFFFB0  }
0x1b7: {  	[spmem:s2] =	stream.indirect.scatter.add.f32 [tilespmem:s9], [sflag:$0x8], $0x80, s31, s15, $0xb8;
	[tilespmem:$0x19200] =	vst v63  }
0x1b8: {  	_ =	swait.ge [sflag:s22], $0x2800  }
0x1b9: {  	[sflag:s22] =	ssyncset.done $0x0  }
.Ltmp4:
0x1ba: {  	s25 =	sadd.s32 $0x4EC0, s25;
	[sflag:s22] =	ssyncadd.s32 $0xFFFFD800;
	(pc) =	sbr.rel @p2 .LBB2_9-.Ltmp4, $4  }
0x1bb: {  	[tilespmem:s31], [sflag:$0x4] =	stream.linear.gather [hbm4b:s25+s3], $0x50, $0x38;
	[tilespmem:$0x19200] =	vst v63  }
0x1bc: {  	_ =	swait.ge [sflag:s6], $0x50  }
0x1bd: {  	[sflag:s6] =	ssyncset.done $0x0  }
0x1be: {  	[sflag:s6] =	ssyncadd.s32 $0xFFFFFFB0  }
0x1bf: {  	[spmem:s2] =	stream.indirect.scatter.add.f32 [tilespmem:s9], [sflag:$0x7], $0x80, s21, s15, $0xb8;
	[tilespmem:$0x19200] =	vst v63  }
0x1c0: {  	_ =	swait.ge [sflag:s14], $0x2800  }
0x1c1: {  	[sflag:s14] =	ssyncset.done $0x0  }
0x1c2: {  	s24 =	simm.s32 @p1 $0x4;
	[sflag:s14] =	ssyncadd.s32 $0xFFFFD800  }
0x1c3: {  	_ =	swait.ge @p1 [sflag:s24], $0x50  }
0x1c4: {  	s25 =	simm.s32 @p1 $0x14180;
	[sflag:s24] =	ssyncset.done @p1 $0x0  }
0x1c5: {  	s26 =	simm.s32 @p1 $0x16A00;
	[sflag:s24] =	ssyncadd.s32 @p1 $0xFFFFFFB0;
	s24 =	simm.s32 @p1 $0x50  }
0x1c6: {  	[spmem:s2] =	stream.indirect.scatter.add.f32 @p1 [tilespmem:s26], [sflag:$0x8], $0x80, s25, s24, $0xb8;
	[tilespmem:$0x19200] =	vst v63  }
0x1c7: {  	s24 =	simm.s32 @p1 $0x8  }
0x1c8: {  	_ =	swait.ge @p1 [sflag:s24], $0x2800  }
0x1c9: {  	s25 =	simm.s32 @!p1 $0x14100;
	[sflag:s24] =	ssyncset.done @p1 $0x0  }
0x1ca: {  	s26 =	rddreg [dreg:$0xc];
	[sflag:s24] =	ssyncadd.s32 @p1 $0xFFFFD800;
	s24 =	simm.s32 @!p1 $0x0  }
0x1cb: {  	[tilespmem:s25], [sflag:$0x3] =	stream.linear.gather @!p1 [hbm4b:s26+s24], $0x50, $0x38;
	[tilespmem:$0x19200] =	vst v63  }
0x1cc: {  	s24 =	simm.s32 @!p1 $0x4  }
0x1cd: {  	_ =	swait.ge @!p1 [sflag:s24], $0x50  }
0x1ce: {  	s28 =	simm.s32 @!p1 $0x16A00;
	[sflag:s24] =	ssyncset.done @!p1 $0x0  }
0x1cf: {  	s26 =	simm.s32 @!p1 $0x14180;
	[sflag:s24] =	ssyncadd.s32 @!p1 $0xFFFFFFB0;
	s24 =	simm.s32 @!p1 $0x50  }
0x1d0: {  	[spmem:s2] =	stream.indirect.scatter.add.f32 @!p1 [tilespmem:s28], [sflag:$0x8], $0x80, s26, s24, $0xb8;
	[tilespmem:$0x19200] =	vst v63  }
0x1d1: {  	s26 =	simm.s32 @!p1 $0x8  }
0x1d2: {  	_ =	swait.ge @!p1 [sflag:s26], $0x2800  }
0x1d3: {  	[sflag:s26] =	ssyncset.done @!p1 $0x0  }
0x1d4: {  	[sflag:s26] =	ssyncadd.s32 @!p1 $0xFFFFD800;
	s26 =	simm.s32 @!p1 $0x3  }
0x1d5: {  	_ =	swait.ge @!p1 [sflag:s26], $0x50  }
0x1d6: {  	[sflag:s26] =	ssyncset.done @!p1 $0x0  }
0x1d7: {  	[sflag:s26] =	ssyncadd.s32 @!p1 $0xFFFFFFB0  }
0x1d8: {  	[spmem:s2] =	stream.indirect.scatter.add.f32 @!p1 [tilespmem:s28], [sflag:$0x7], $0x80, s25, s24, $0xb8;
	[tilespmem:$0x19200] =	vst v63  }
0x1d9: {  	s24 =	simm.s32 @!p0 $0x7  }
0x1da: {  	_ =	swait.ge @!p0 [sflag:s24], $0x2800  }
0x1db: {  	[sflag:s24] =	ssyncset.done @!p0 $0x0  }
0x1dc: {  	[sflag:s24] =	ssyncadd.s32 @!p0 $0xFFFFD800  }
0x1dd: {  	[bflag:$0x0] =	sbarrier.arrive $0xFFFF  }
0x1de: {  	s18 =	rddreg [dreg:$0xf]  }
0x1df: {  	[tilespmem:s10], [sflag:$0x9] =	stream.linear.gather [spmem:s18], $0x2800, $0x38;
	[tilespmem:$0x19200] =	vst v63  }
0x1e0: {  	_ =	swait.ge [sflag:s20], $0x2800  }
0x1e1: {  	s25 =	sld [smem:$0x7FC];
	_ =	sdelay $0x1  }
0x1e2: {  	[sflag:s20] =	ssyncset.done $0x0;
	s18 =	rddreg [dreg:$0x15]  }
0x1e3: {  	[sflag:s20] =	ssyncadd.s32 $0xFFFFD800;
	s24 =	sadd.s32 s18, s25  }
0x1e4: {  	[hbm4b:s24+s3] =	stream.linear.scatter [tilespmem:s10], [sflag:$0x9], $0x2800, $0x38;
	[tilespmem:$0x19200] =	vst v63  }
0x1e5: {  	_ =	swait.ge [sflag:s20], $0x2800  }
0x1e6: {  	[sflag:s20] =	ssyncset.done $0x0  }
0x1e7: {  	s26 =	rddreg [dreg:$0x10];
	[sflag:s20] =	ssyncadd.s32 $0xFFFFD800  }
0x1e8: {  	[tilespmem:s10], [sflag:$0x9] =	stream.linear.gather [spmem:s26], $0x2800, $0x38;
	[tilespmem:$0x19200] =	vst v63  }
0x1e9: {  	_ =	swait.ge [sflag:s20], $0x2800  }
0x1ea: {  	[sflag:s20] =	ssyncset.done $0x0;
	s25 =	rddreg [dreg:$0x1e]  }
0x1eb: {  	s24 =	sadd.s32 s18, s25;
	[sflag:s20] =	ssyncadd.s32 $0xFFFFD800  }
0x1ec: {  	[hbm4b:s24+s3] =	stream.linear.scatter [tilespmem:s10], [sflag:$0x9], $0x2800, $0x38;
	[tilespmem:$0x19200] =	vst v63  }
0x1ed: {  	_ =	swait.ge [sflag:s20], $0x2800  }
0x1ee: {  	[sflag:s20] =	ssyncset.done $0x0  }
0x1ef: {  	s28 =	rddreg [dreg:$0x11];
	[sflag:s20] =	ssyncadd.s32 $0xFFFFD800  }
0x1f0: {  	[tilespmem:s10], [sflag:$0x9] =	stream.linear.gather [spmem:s28], $0x2800, $0x38;
	[tilespmem:$0x19200] =	vst v63  }
0x1f1: {  	_ =	swait.ge [sflag:s20], $0x2800  }
0x1f2: {  	[sflag:s20] =	ssyncset.done $0x0;
	s26 =	rddreg [dreg:$0x1d]  }
0x1f3: {  	s24 =	sadd.s32 s18, s26;
	[sflag:s20] =	ssyncadd.s32 $0xFFFFD800  }
0x1f4: {  	[hbm4b:s24+s3] =	stream.linear.scatter [tilespmem:s10], [sflag:$0x9], $0x2800, $0x38;
	[tilespmem:$0x19200] =	vst v63  }
0x1f5: {  	_ =	swait.ge [sflag:s20], $0x2800  }
0x1f6: {  	[sflag:s20] =	ssyncset.done $0x0  }
0x1f7: {  	[sflag:s20] =	ssyncadd.s32 $0xFFFFD800  }
0x1f8: {  	[tilespmem:s10], [sflag:$0x9] =	stream.linear.gather [spmem:s29], $0x2800, $0x38;
	[tilespmem:$0x19200] =	vst v63  }
0x1f9: {  	_ =	swait.ge [sflag:s20], $0x2800  }
0x1fa: {  	[sflag:s20] =	ssyncset.done $0x0;
	s25 =	rddreg [dreg:$0x1c]  }
0x1fb: {  	s24 =	sadd.s32 s18, s25;
	[sflag:s20] =	ssyncadd.s32 $0xFFFFD800  }
0x1fc: {  	[hbm4b:s24+s3] =	stream.linear.scatter [tilespmem:s10], [sflag:$0x9], $0x2800, $0x38;
	[tilespmem:$0x19200] =	vst v63  }
0x1fd: {  	_ =	swait.ge [sflag:s20], $0x2800  }
0x1fe: {  	[sflag:s20] =	ssyncset.done $0x0  }
0x1ff: {  	[sflag:s20] =	ssyncadd.s32 $0xFFFFD800  }
0x200: {  	[tilespmem:s10], [sflag:$0x9] =	stream.linear.gather [spmem:s30], $0x2800, $0x38;
	[tilespmem:$0x19200] =	vst v63  }
0x201: {  	_ =	swait.ge [sflag:s20], $0x2800  }
0x202: {  	[sflag:s20] =	ssyncset.done $0x0;
	s26 =	rddreg [dreg:$0x1b]  }
0x203: {  	s24 =	sadd.s32 s18, s26;
	[sflag:s20] =	ssyncadd.s32 $0xFFFFD800  }
0x204: {  	[hbm4b:s24+s3] =	stream.linear.scatter [tilespmem:s10], [sflag:$0x9], $0x2800, $0x38;
	[tilespmem:$0x19200] =	vst v63  }
0x205: {  	_ =	swait.ge [sflag:s20], $0x2800  }
0x206: {  	[sflag:s20] =	ssyncset.done $0x0  }
0x207: {  	[sflag:s20] =	ssyncadd.s32 $0xFFFFD800  }
0x208: {  	[tilespmem:s10], [sflag:$0x9] =	stream.linear.gather [spmem:s23], $0x2800, $0x38;
	[tilespmem:$0x19200] =	vst v63  }
0x209: {  	_ =	swait.ge [sflag:s20], $0x2800  }
0x20a: {  	[sflag:s20] =	ssyncset.done $0x0;
	s25 =	rddreg [dreg:$0x1a]  }
0x20b: {  	s24 =	sadd.s32 s18, s25;
	[sflag:s20] =	ssyncadd.s32 $0xFFFFD800  }
0x20c: {  	[hbm4b:s24+s3] =	stream.linear.scatter [tilespmem:s10], [sflag:$0x9], $0x2800, $0x38;
	[tilespmem:$0x19200] =	vst v63  }
0x20d: {  	_ =	swait.ge [sflag:s20], $0x2800  }
0x20e: {  	[sflag:s20] =	ssyncset.done $0x0  }
0x20f: {  	s25 =	rddreg [dreg:$0x16];
	[sflag:s20] =	ssyncadd.s32 $0xFFFFD800  }
0x210: {  	[tilespmem:s10], [sflag:$0x9] =	stream.linear.gather [spmem:s25], $0x2800, $0x38;
	[tilespmem:$0x19200] =	vst v63  }
0x211: {  	_ =	swait.ge [sflag:s20], $0x2800  }
0x212: {  	[sflag:s20] =	ssyncset.done $0x0;
	s26 =	rddreg [dreg:$0x19]  }
0x213: {  	s24 =	sadd.s32 s18, s26;
	[sflag:s20] =	ssyncadd.s32 $0xFFFFD800  }
0x214: {  	[hbm4b:s24+s3] =	stream.linear.scatter [tilespmem:s10], [sflag:$0x9], $0x2800, $0x38;
	[tilespmem:$0x19200] =	vst v63  }
0x215: {  	_ =	swait.ge [sflag:s20], $0x2800  }
0x216: {  	[sflag:s20] =	ssyncset.done $0x0  }
0x217: {  	s26 =	smov.u32 s30;
	s30 =	rddreg [dreg:$0x17];
	[sflag:s20] =	ssyncadd.s32 $0xFFFFD800  }
0x218: {  	[tilespmem:s10], [sflag:$0x9] =	stream.linear.gather [spmem:s30], $0x2800, $0x38;
	[tilespmem:$0x19200] =	vst v63  }
0x219: {  	_ =	swait.ge [sflag:s20], $0x2800  }
0x21a: {  	[sflag:s20] =	ssyncset.done $0x0;
	s24 =	rddreg [dreg:$0x18]  }
0x21b: {  	s24 =	sadd.s32 s18, s24;
	[sflag:s20] =	ssyncadd.s32 $0xFFFFD800  }
0x21c: {  	[hbm4b:s24+s3] =	stream.linear.scatter [tilespmem:s10], [sflag:$0x9], $0x2800, $0x38;
	[tilespmem:$0x19200] =	vst v63  }
0x21d: {  	_ =	swait.ge [sflag:s20], $0x2800  }
0x21e: {  	s24 =	sld [smem:$0x7FB];
	_ =	sdelay $0x2  }
0x21f: {  	s18 =	sadd.s32 $0x1, s24;
	s24 =	rddreg [dreg:$0xe]  }
0x220: {  	p2 =	sne.s32 s18, s24  }
.Ltmp5:
0x221: {  	_ = 	snop;
	(pc) =	sbr.rel @p2 .LBB2_1-.Ltmp5, $3  }
0x222: {  	_ =	sdelay $0x1  }
0x223: {  	[sflag:s20] =	ssyncset.done $0x0  }
0x224: {  	[sflag:s20] =	ssyncadd.s32 $0xFFFFD800  }
0x225: {  	_ =	sfence.sel $0x180000  }
0x226: {  	[bflag:$0x0] =	sbarrier.arrive $0xFFFF  }
0x227: {  	_ =	strace $0x90000047  }
0x228: {  	s0 =	stileid.u32;
	[bflag:$0x2] =	sbarrier.arrive $0xFFFF  }
0x229: {  	p0 =	sne.s32 s0, $0x0;
	s0 =	rddreg [dreg:$0x3]  }
0x22a: {  	s0 =	sadd.s32 @!p0 $0x100000, s0  }
0x22b: {  	[sflag:s0] =	ssyncadd.tile.s32 @!p0 $0x1;
	_ =	shalt  }
.Lfunc_end2:
_tile_overlayer_lowered:
.L_overlay_start_2:
0x22c: {  	(tag) =	ssettag $0x2  }
0x22d: {  	s0 =	rddreg [dreg:$0x0];
	s2 =	stileid.u32  }
0x22e: {  	s1 =	rddreg [dreg:$0x1];
	p0 =	sne.s32 s2, $0x0  }
0x22f: {  	s3 =	rddreg [dreg:$0x2];
	[bflag:$0x3] =	sbarrier.arrive $0xFFFF;
	s2 =	simm.s32 @!p0 $0x1C09  }
0x230: {  	[timem:s3], [sflag:s2] =	dma.local @!p0 [hbm:s0], s1  }
0x231: {  	s0 =	simm.s32 @!p0 $0x9  }
0x232: {  	_ =	swait.ge @!p0 [sflag:s0], s1  }
0x233: {  	s1 =	ssub.s32 @!p0 $0x0, s1;
	[sflag:s0] =	ssyncset.done @!p0 $0x0  }
0x234: {  	[sflag:s0] =	ssyncadd.s32 @!p0 s1  }
0x235: {  	[bflag:$0x3] =	sbarrier.arrive $0xFFFF  }
0x236: {  	_ =	shalt  }

</sc_bundles>
